<compile_context>
chip_gen: v7x
topology: tpu7x:2x2x1
jax: 0.10.2.dev20260603
libtpu: 0.0.44.dev20260713+nightly
codegen_flags: <defaults>
</compile_context>

<pallas_src>
import jax
import jax.numpy as jnp
from jax import lax
from jax.experimental import pallas as pl
from jax.experimental.pallas import tpu as pltpu
from jax.experimental.pallas import tpu_sc as plsc

TOPK = 131072
B, L, D = 512, 12, 4096
N = B * L * D
LANES = 16
NC, NS = 2, 16

NW = NC * NS

HI_BUCKETS = 32768
LO_BUCKETS = 65536

ROWS2D, COLS2D = 6144, 4096
SC_R_HI = 8
LO_COLS = 2048
TC_ROWS = 32


def _sc_mesh():
    return plsc.VectorSubcoreMesh(core_axis_name="c", subcore_axis_name="s")


_SC_PARAMS = pltpu.CompilerParams(needs_layout_passes=False)


def _zero_hist(hist_v, nwords):
    zeros16 = jnp.zeros((LANES,), jnp.int32)
    nrows = nwords // 128

    @pl.loop(0, nrows)
    def _(r):
        @pl.loop(0, 128 // LANES)
        def _(i):
            hist_v[r, pl.ds(i * LANES, LANES)] = zeros16


def _sc_hist_hi_body(flat_hbm, hist_hbm, hist_v):
    c = lax.axis_index("c")
    s = lax.axis_index("s")
    ones16 = jnp.ones((LANES,), jnp.int32)
    lane = lax.iota(jnp.int32, LANES)
    zoff = lane + HI_BUCKETS

    _zero_hist(hist_v, (HI_BUCKETS // 128 + 1) * 128)

    def body(in_vmem):
        @pl.loop(0, SC_R_HI)
        def _(r):
            @plsc.parallel_loop(0, COLS2D // LANES, unroll=8)
            def _(j):
                v = in_vmem[r, pl.ds(j * LANES, LANES)]
                bits = plsc.bitcast(v, jnp.int32)
                hi = lax.shift_right_logical(bits, 16)
                hi2 = jnp.where(bits <= 0, zoff, hi)
                row = lax.shift_right_logical(hi2, 7)
                col = jnp.bitwise_and(hi2, 127)
                plsc.addupdate_scatter(hist_v, [row, col], ones16)

    pltpu.emit_pipeline(
        body,
        grid=(ROWS2D // SC_R_HI,),
        in_specs=[pl.BlockSpec((SC_R_HI, COLS2D), lambda i: (i, 0))],
        out_specs=[],
        core_axis_name=("c", "s"),
        dimension_semantics=(pltpu.PARALLEL,),
    )(flat_hbm)

    z = hist_v[HI_BUCKETS // 128, pl.ds(0, LANES)]
    zsum = jnp.sum(z)
    zvec = jnp.where(lane == 0, zsum, 0)
    hist_v[0, pl.ds(0, LANES)] = hist_v[0, pl.ds(0, LANES)] + zvec

    w = c * NS + s
    pltpu.sync_copy(hist_v.at[pl.ds(0, HI_BUCKETS // 128)], hist_hbm.at[w])


def _sc_hist_lo_body(flat_hbm, aux_hbm, hist_hbm, hist_v, hvec_v):
    c = lax.axis_index("c")
    s = lax.axis_index("s")
    ones16 = jnp.ones((LANES,), jnp.int32)

    _zero_hist(hist_v, LO_BUCKETS)
    pltpu.sync_copy(aux_hbm.at[0, pl.ds(0, LANES)], hvec_v)
    hstar = hvec_v[...]

    def body(in_vmem):
        @pl.loop(0, 8)
        def _(r):
            @plsc.parallel_loop(0, LO_COLS // LANES, unroll=8)
            def _(j):
                v = in_vmem[r, pl.ds(j * LANES, LANES)]
                bits = plsc.bitcast(v, jnp.int32)
                hi = lax.shift_right_arithmetic(bits, 16)
                mask = hi == hstar
                row = jnp.bitwise_and(lax.shift_right_logical(bits, 7), 511)
                col = jnp.bitwise_and(bits, 127)
                plsc.addupdate_scatter(hist_v, [row, col], ones16, mask=mask)

    pltpu.emit_pipeline(
        body,
        grid=(ROWS2D // 8, COLS2D // LO_COLS),
        in_specs=[pl.BlockSpec((8, LO_COLS), lambda i, j: (i, j))],
        out_specs=[],
        core_axis_name=("c", "s"),
        dimension_semantics=(pltpu.PARALLEL, pltpu.PARALLEL),
    )(flat_hbm)

    w = c * NS + s
    pltpu.sync_copy(hist_v, hist_hbm.at[w])


def _suffix_search(h, nbuckets, k, steps):
    rows = nbuckets // 128
    row = lax.broadcasted_iota(jnp.int32, (rows, 128), 0)
    col = lax.broadcasted_iota(jnp.int32, (rows, 128), 1)
    idx = row * 128 + col

    def cnt_ge(m):
        return jnp.sum(jnp.where(idx >= m, h, 0))

    def step(_, lohi):
        lo, hi = lohi
        mid = (lo + hi) // 2
        ok = cnt_ge(mid) >= k
        return jnp.where(ok, mid, lo), jnp.where(ok, hi, mid)

    lo, _ = lax.fori_loop(0, steps, step, (jnp.int32(0), jnp.int32(nbuckets)))
    above = jnp.sum(jnp.where(idx > lo, h, 0))
    at = jnp.sum(jnp.where(idx == lo, h, 0))
    return lo, above, at


def _tc_find_hi_body(hist_ref, aux_ref):
    h = jnp.sum(hist_ref[...], axis=0)
    hstar, above, _ = _suffix_search(h, HI_BUCKETS, TOPK, 15)
    k2 = TOPK - above
    r = lax.broadcasted_iota(jnp.int32, (8, 128), 0)
    aux_ref[...] = jnp.where(r == 0, hstar, jnp.where(r == 1, k2, 0))


def _tc_mask_body(hist_ref, aux_ref, x_ref, o_ref, t_ref):
    @pl.when(pl.program_id(0) == 0)
    def _():
        hstar = aux_ref[0, 0]
        k2 = aux_ref[1, 0]
        h = jnp.sum(hist_ref[...], axis=0)
        lostar, above, ties = _suffix_search(h, LO_BUCKETS, k2, 16)
        m = k2 - above
        t = jnp.bitwise_or(lax.shift_left(hstar, 16), lostar)
        t_ref[0] = jnp.where(2 * m < ties, t + 1, t)

    t = t_ref[0]
    bits = lax.bitcast_convert_type(x_ref[...], jnp.int32)
    y = jnp.maximum(bits, 0)
    o_ref[...] = lax.bitcast_convert_type(jnp.where(y >= t, y, 0), jnp.float32)


@jax.jit
def kernel(features):
    xt = jnp.transpose(features, (1, 0, 2))
    flat2d = xt.reshape(ROWS2D, COLS2D)

    hist_hi = pl.kernel(
        _sc_hist_hi_body,
        out_type=jax.ShapeDtypeStruct((NW, HI_BUCKETS // 128, 128), jnp.int32),
        mesh=_sc_mesh(),
        compiler_params=_SC_PARAMS,
        scratch_types=[
            pltpu.VMEM((HI_BUCKETS // 128 + 1, 128), jnp.int32),
        ],
    )(flat2d)

    aux = pl.pallas_call(
        _tc_find_hi_body,
        out_shape=jax.ShapeDtypeStruct((8, 128), jnp.int32),
        in_specs=[pl.BlockSpec((NW, HI_BUCKETS // 128, 128),
                               lambda: (0, 0, 0))],
        out_specs=pl.BlockSpec((8, 128), lambda: (0, 0)),
    )(hist_hi)

    hist_lo = pl.kernel(
        _sc_hist_lo_body,
        out_type=jax.ShapeDtypeStruct((NW, LO_BUCKETS // 128, 128), jnp.int32),
        mesh=_sc_mesh(),
        compiler_params=_SC_PARAMS,
        scratch_types=[
            pltpu.VMEM((LO_BUCKETS // 128, 128), jnp.int32),
            pltpu.VMEM((LANES,), jnp.int32),
        ],
    )(flat2d, aux)

    out_t = pl.pallas_call(
        _tc_mask_body,
        grid=(B // TC_ROWS,),
        out_shape=jax.ShapeDtypeStruct((L, B, D), jnp.float32),
        in_specs=[
            pl.BlockSpec((NW, LO_BUCKETS // 128, 128), lambda i: (0, 0, 0)),
            pl.BlockSpec((8, 128), lambda i: (0, 0)),
            pl.BlockSpec((L, TC_ROWS, D), lambda i: (0, i, 0)),
        ],
        out_specs=pl.BlockSpec((L, TC_ROWS, D), lambda i: (0, i, 0)),
        scratch_shapes=[pltpu.SMEM((1,), jnp.int32)],
    )(hist_lo, aux, xt)

    return jnp.transpose(out_t, (1, 0, 2))

# --- scband reference (transcript-rebuilt; emitter-appended) ---
"""Pipeline reference for scband-batch-top-k-60954175865370 (READ-ONLY COPY).

The authoritative reference and input builder live on the scoring server;
editing this copy changes nothing except your own understanding.
"""

import jax, jax.numpy as jnp
import numpy as np

K = 131072
E = 0.1

def setup_inputs(seed: int = 0) -> dict:
    key = jax.random.key(seed)
    features = jax.random.normal(key, (512, 12, 4096), dtype=jnp.float32)
    return {"features": features}

def reference(features):
    batch_size, n_layers, d_features = features.shape
    flat = features.reshape(-1)
    topk_vals, topk_idxs = jax.lax.top_k(flat, K)
    topk_flat = jnp.zeros_like(flat).at[topk_idxs].set(topk_vals)
    out = topk_flat.reshape(batch_size, n_layers, d_features)
    out = jax.nn.relu(out)
    return out

if __name__ == "__main__":
    import jax
    _d = setup_inputs()
    print(jax.jit(kernel)(*tuple(_d.values())))

</pallas_src>

<mosaic_0001>
#map = affine_map<(d0, d1) -> (0, 0)>
#map1 = affine_map<(d0, d1) -> (0, 0, 0)>
module attributes {stable_mosaic.version = 14 : i64} {
  func.func @_sc_hist_hi_body(%arg0: i32, %arg1: i32, %arg2: memref<6144x4096xf32, #tpu.memory_space<hbm>>, %arg3: memref<32x256x128xi32, #tpu.memory_space<hbm>>, %arg4: memref<257x128xi32, #tpu.memory_space<vmem>>) attributes {dimension_semantics = [#tpu.dimension_semantics<core_parallel>, #tpu.dimension_semantics<subcore_parallel>], iteration_bounds = array<i64: 2, 16>, scalar_prefetch = 0 : i64, scratch_operands = 1 : i64, tpu.core_type = #tpu.core_type<sc_vector_subcore>, window_params = [{transform_indices = #map}, {transform_indices = #map1}]} {
    %broadcast_in_dim3A = arith.constant 1 : i32
    %broadcast_in_dim3A_0 = vector.broadcast %broadcast_in_dim3A : i32 to vector<16xi32>
    %iota3A = tpu.iota {dimensions = array<i32: 0>} : vector<16xi32>
    %add3A = arith.constant 32768 : i32
    %add3A_1 = vector.broadcast %add3A : i32 to vector<16xi32>
    %add3A_2 = arith.addi %iota3A, %add3A_1 : vector<16xi32>
    %broadcast_in_dim3A_3 = arith.constant 0 : i32
    %broadcast_in_dim3A_4 = vector.broadcast %broadcast_in_dim3A_3 : i32 to vector<16xi32>
    %scan3A = arith.constant 0 : i32
    %scan3A_5 = arith.constant 257 : i32
    %scan3A_6 = arith.addi %scan3A, %scan3A_5 : i32
    %scan3A_7 = arith.constant 1 : i32
    scf.for %scan3A_38 = %scan3A to %scan3A_6 step %scan3A_7  : i32 {
      %mul3A_39 = arith.constant 1 : i32
      %mul3A_40 = arith.muli %scan3A_38, %mul3A_39 : i32
      %add3A_41 = arith.constant 0 : i32
      %add3A_42 = arith.addi %add3A_41, %mul3A_40 : i32
      %scan3A_43 = arith.constant 0 : i32
      %scan3A_44 = arith.constant 8 : i32
      %scan3A_45 = arith.addi %scan3A_43, %scan3A_44 : i32
      %scan3A_46 = arith.constant 1 : i32
      scf.for %scan3A_48 = %scan3A_43 to %scan3A_45 step %scan3A_46  : i32 {
        %mul3A_49 = arith.constant 1 : i32
        %mul3A_50 = arith.muli %scan3A_48, %mul3A_49 : i32
        %add3A_51 = arith.constant 0 : i32
        %add3A_52 = arith.addi %add3A_51, %mul3A_50 : i32
        %mul3A_53 = arith.constant 16 : i32
        %mul3A_54 = arith.muli %add3A_52, %mul3A_53 : i32
        %swap3A_55 = arith.index_cast %add3A_42 : i32 to index
        %swap3A_56 = arith.index_cast %mul3A_54 : i32 to index
        %swap3A_57 = tpu.vector_load %arg4[%swap3A_55, %swap3A_56] {strides = array<i32>} : memref<257x128xi32, #tpu.memory_space<vmem>>, vector<16xi32>,
        tpu.vector_store %arg4[%swap3A_55, %swap3A_56], %broadcast_in_dim3A_4 {strides = array<i32>} : memref<257x128xi32, #tpu.memory_space<vmem>>, vector<16xi32>,
      }
      %scan3A_47 = arith.constant 8 : i32
    }
    %scan3A_8 = arith.constant 257 : i32
    %mul3A = arith.constant 1 : i32
    %mul3A_9 = arith.muli %arg1, %mul3A : i32
    %add3A_10 = arith.constant 0 : i32
    %add3A_11 = arith.addi %add3A_10, %mul3A_9 : i32
    %mul3A_12 = arith.constant 16 : i32
    %mul3A_13 = arith.muli %arg0, %mul3A_12 : i32
    %add3A_14 = arith.addi %add3A_11, %mul3A_13 : i32
    %mul3A_15 = arith.constant 24 : i32
    %mul3A_16 = arith.muli %add3A_14, %mul3A_15 : i32
    "tpu.region"() ({
      %run_scoped3A = memref.alloca() : memref<2x8x4096xf32, #tpu.memory_space<vmem>>
      %run_scoped3A_38 = tpu.sem_alloc : memref<2x!tpu.dma_semaphore, #tpu.memory_space<semaphore_mem>>
      %add3A_39 = arith.constant 0 : i32
      %add3A_40 = arith.addi %add3A_39, %mul3A_16 : i32
      %select_n3A_41 = arith.constant true
      %select_n3A_42 = arith.constant 0 : i32
      %select_n3A_43 = arith.constant -1 : i32
      %select_n3A_44 = arith.select %select_n3A_41, %select_n3A_43, %select_n3A_42 : i32
      %eq3A_45 = arith.constant -1 : i32
      %eq3A_46 = arith.cmpi eq, %select_n3A_44, %eq3A_45 : i32
      %select_n3A_47 = arith.constant 23 : i32
      %select_n3A_48 = arith.select %eq3A_46, %select_n3A_47, %select_n3A_44 : i32
      %add3A_49 = arith.addi %select_n3A_48, %mul3A_16 : i32
      %select_n3A_50 = arith.constant true
      %select_n3A_51 = arith.constant 0 : i32
      %select_n3A_52 = arith.constant 1 : i32
      %select_n3A_53 = arith.select %select_n3A_50, %select_n3A_52, %select_n3A_51 : i32
      %eq3A_54 = arith.constant 24 : i32
      %eq3A_55 = arith.cmpi eq, %select_n3A_53, %eq3A_54 : i32
      %select_n3A_56 = arith.constant 0 : i32
      %select_n3A_57 = arith.select %eq3A_55, %select_n3A_56, %select_n3A_53 : i32
      %add3A_58 = arith.addi %select_n3A_57, %mul3A_16 : i32
      %add3A_59 = arith.constant 1 : i32
      %add3A_60 = arith.addi %select_n3A_57, %add3A_59 : i32
      %select_n3A_61 = arith.constant true
      %select_n3A_62 = arith.select %select_n3A_61, %add3A_60, %select_n3A_57 : i32
      %eq3A_63 = arith.constant 24 : i32
      %eq3A_64 = arith.cmpi eq, %select_n3A_62, %eq3A_63 : i32
      %select_n3A_65 = arith.constant 0 : i32
      %select_n3A_66 = arith.select %eq3A_64, %select_n3A_65, %select_n3A_62 : i32
      %add3A_67 = arith.addi %select_n3A_66, %mul3A_16 : i32
      "tpu.trace_start"() <{level = 10 : i32, message = "ep_initialize_0"}> : () -> ()
      %rem3A = arith.constant 0 : i32
      %rem3A_68 = arith.constant 2 : i32
      %rem3A_69 = arith.remui %rem3A, %rem3A_68 : i32
      %mul3A_70 = arith.constant 8 : i32
      %mul3A_71 = arith.muli %mul3A_70, %add3A_40 : i32
      %dma_start3A = arith.constant 0 : i32
      %dma_start3A_72 = arith.constant 0 : i32
      %dma_start3A_73 = tpu.memref_slice %run_scoped3A[%rem3A_69, %dma_start3A, %dma_start3A_72] : memref<2x8x4096xf32, #tpu.memory_space<vmem>> -> memref<1x8x4096xf32, #tpu.memory_space<vmem>>
      %dma_start3A_74 = tpu.memref_squeeze %dma_start3A_73 : memref<1x8x4096xf32, #tpu.memory_space<vmem>> -> memref<8x4096xf32, #tpu.memory_space<vmem>>
      %dma_start3A_75 = arith.constant 0 : i32
      %dma_start3A_76 = tpu.memref_slice %arg2[%mul3A_71, %dma_start3A_75] : memref<6144x4096xf32, #tpu.memory_space<hbm>> -> memref<8x4096xf32, #tpu.memory_space<hbm>>
      %dma_start3A_77 = tpu.memref_slice %run_scoped3A_38[%rem3A_69] : memref<2x!tpu.dma_semaphore, #tpu.memory_space<semaphore_mem>> -> memref<1x!tpu.dma_semaphore, #tpu.memory_space<semaphore_mem>>
      %dma_start3A_78 = tpu.memref_squeeze %dma_start3A_77 : memref<1x!tpu.dma_semaphore, #tpu.memory_space<semaphore_mem>> -> memref<!tpu.dma_semaphore, #tpu.memory_space<semaphore_mem>>
      %dma_start3A_79 = arith.constant 0 : i32
      %dma_start3A_80 = arith.constant 0 : i32
      %dma_start3A_81 = tpu.memref_slice %run_scoped3A[%rem3A_69, %dma_start3A_79, %dma_start3A_80] : memref<2x8x4096xf32, #tpu.memory_space<vmem>> -> memref<1x8x4096xf32, #tpu.memory_space<vmem>>
      %dma_start3A_82 = tpu.memref_squeeze %dma_start3A_81 : memref<1x8x4096xf32, #tpu.memory_space<vmem>> -> memref<8x4096xf32, #tpu.memory_space<vmem>>
      %dma_start3A_83 = arith.constant 0 : i32
      %dma_start3A_84 = tpu.memref_slice %arg2[%mul3A_71, %dma_start3A_83] : memref<6144x4096xf32, #tpu.memory_space<hbm>> -> memref<8x4096xf32, #tpu.memory_space<hbm>>
      tpu.enqueue_dma source(%dma_start3A_84 : memref<8x4096xf32, #tpu.memory_space<hbm>>) target(%dma_start3A_82 : memref<8x4096xf32, #tpu.memory_space<vmem>>) target_semaphore(%dma_start3A_78 : memref<!tpu.dma_semaphore, #tpu.memory_space<semaphore_mem>>)
      %add3A_85 = arith.constant 0 : i32
      %add3A_86 = arith.constant 1 : i32
      %add3A_87 = arith.addi %add3A_85, %add3A_86 : i32
      %select_n3A_88 = arith.constant true
      %select_n3A_89 = arith.constant 0 : i32
      %select_n3A_90 = arith.select %select_n3A_88, %add3A_87, %select_n3A_89 : i32
      "tpu.trace_stop"() : () -> ()
      %scan3A_91 = arith.constant 0 : i32
      %scan3A_92 = arith.constant 0 : i32
      %scan3A_93 = arith.constant 0 : i32
      %scan3A_94 = arith.constant 24 : i32
      %scan3A_95 = arith.addi %scan3A_93, %scan3A_94 : i32
      %scan3A_96 = arith.constant 1 : i32
      %scan3A_97:3 = scf.for %scan3A_134 = %scan3A_93 to %scan3A_95 step %scan3A_96 iter_args(%scan3A_135 = %select_n3A_90, %scan3A_136 = %scan3A_91, %scan3A_137 = %scan3A_92) -> (i32, i32, i32)  : i32 {
        %eq3A_138 = arith.constant 0 : i32
        %eq3A_139 = arith.cmpi eq, %scan3A_134, %eq3A_138 : i32
        %eq3A_140 = arith.constant 23 : i32
        %eq3A_141 = arith.cmpi eq, %scan3A_134, %eq3A_140 : i32
        %add3A_142 = arith.addi %scan3A_137, %mul3A_16 : i32
        %sub3A_143 = arith.constant 1 : i32
        %sub3A_144 = arith.subi %scan3A_137, %sub3A_143 : i32
        %select_n3A_145 = arith.constant true
        %select_n3A_146 = arith.select %select_n3A_145, %sub3A_144, %scan3A_137 : i32
        %eq3A_147 = arith.constant -1 : i32
        %eq3A_148 = arith.cmpi eq, %select_n3A_146, %eq3A_147 : i32
        %select_n3A_149 = arith.constant 23 : i32
        %select_n3A_150 = arith.select %eq3A_148, %select_n3A_149, %select_n3A_146 : i32
        %add3A_151 = arith.addi %select_n3A_150, %mul3A_16 : i32
        %add3A_152 = arith.constant 1 : i32
        %add3A_153 = arith.addi %scan3A_137, %add3A_152 : i32
        %select_n3A_154 = arith.constant true
        %select_n3A_155 = arith.select %select_n3A_154, %add3A_153, %scan3A_137 : i32
        %eq3A_156 = arith.constant 24 : i32
        %eq3A_157 = arith.cmpi eq, %select_n3A_155, %eq3A_156 : i32
        %select_n3A_158 = arith.constant 0 : i32
        %select_n3A_159 = arith.select %eq3A_157, %select_n3A_158, %select_n3A_155 : i32
        %add3A_160 = arith.addi %select_n3A_159, %mul3A_16 : i32
        %add3A_161 = arith.constant 1 : i32
        %add3A_162 = arith.addi %select_n3A_159, %add3A_161 : i32
        %select_n3A_163 = arith.constant true
        %select_n3A_164 = arith.select %select_n3A_163, %add3A_162, %select_n3A_159 : i32
        %eq3A_165 = arith.constant 24 : i32
        %eq3A_166 = arith.cmpi eq, %select_n3A_164, %eq3A_165 : i32
        %select_n3A_167 = arith.constant 0 : i32
        %select_n3A_168 = arith.select %eq3A_166, %select_n3A_167, %select_n3A_164 : i32
        %add3A_169 = arith.addi %select_n3A_168, %mul3A_16 : i32
        %ne3A = arith.cmpi ne, %add3A_142, %add3A_160 : i32
        %or3A = arith.constant false
        %or3A_170 = arith.ori %or3A, %ne3A : i1
        %or3A_171 = arith.constant false
        %or3A_172 = arith.ori %or3A_170, %or3A_171 : i1
        %ge3A = arith.constant 23 : i32
        %ge3A_173 = arith.cmpi sge, %scan3A_134, %ge3A : i32
        %not3A = arith.constant true
        %not3A_174 = arith.xori %ge3A_173, %not3A : i1
        %and3A = arith.andi %or3A_172, %not3A_174 : i1
        %convert_element_type3A = arith.extui %and3A : i1 to i32
        %cond3A = arith.constant 0 : i32
        %cond3A_175 = arith.cmpi ne, %convert_element_type3A, %cond3A : i32
        scf.if %cond3A_175 {
          "tpu.trace_start"() <{level = 10 : i32, message = "ep_copy_in"}> : () -> ()
          %rem3A_238 = arith.constant 2 : i32
          %rem3A_239 = arith.remui %scan3A_135, %rem3A_238 : i32
          %mul3A_240 = arith.constant 8 : i32
          %mul3A_241 = arith.muli %mul3A_240, %add3A_160 : i32
          %dma_start3A_242 = arith.constant 0 : i32
          %dma_start3A_243 = arith.constant 0 : i32
          %dma_start3A_244 = tpu.memref_slice %run_scoped3A[%rem3A_239, %dma_start3A_242, %dma_start3A_243] : memref<2x8x4096xf32, #tpu.memory_space<vmem>> -> memref<1x8x4096xf32, #tpu.memory_space<vmem>>
          %dma_start3A_245 = tpu.memref_squeeze %dma_start3A_244 : memref<1x8x4096xf32, #tpu.memory_space<vmem>> -> memref<8x4096xf32, #tpu.memory_space<vmem>>
          %dma_start3A_246 = arith.constant 0 : i32
          %dma_start3A_247 = tpu.memref_slice %arg2[%mul3A_241, %dma_start3A_246] : memref<6144x4096xf32, #tpu.memory_space<hbm>> -> memref<8x4096xf32, #tpu.memory_space<hbm>>
          %dma_start3A_248 = tpu.memref_slice %run_scoped3A_38[%rem3A_239] : memref<2x!tpu.dma_semaphore, #tpu.memory_space<semaphore_mem>> -> memref<1x!tpu.dma_semaphore, #tpu.memory_space<semaphore_mem>>
          %dma_start3A_249 = tpu.memref_squeeze %dma_start3A_248 : memref<1x!tpu.dma_semaphore, #tpu.memory_space<semaphore_mem>> -> memref<!tpu.dma_semaphore, #tpu.memory_space<semaphore_mem>>
          %dma_start3A_250 = arith.constant 0 : i32
          %dma_start3A_251 = arith.constant 0 : i32
          %dma_start3A_252 = tpu.memref_slice %run_scoped3A[%rem3A_239, %dma_start3A_250, %dma_start3A_251] : memref<2x8x4096xf32, #tpu.memory_space<vmem>> -> memref<1x8x4096xf32, #tpu.memory_space<vmem>>
          %dma_start3A_253 = tpu.memref_squeeze %dma_start3A_252 : memref<1x8x4096xf32, #tpu.memory_space<vmem>> -> memref<8x4096xf32, #tpu.memory_space<vmem>>
          %dma_start3A_254 = arith.constant 0 : i32
          %dma_start3A_255 = tpu.memref_slice %arg2[%mul3A_241, %dma_start3A_254] : memref<6144x4096xf32, #tpu.memory_space<hbm>> -> memref<8x4096xf32, #tpu.memory_space<hbm>>
          tpu.enqueue_dma source(%dma_start3A_255 : memref<8x4096xf32, #tpu.memory_space<hbm>>) target(%dma_start3A_253 : memref<8x4096xf32, #tpu.memory_space<vmem>>) target_semaphore(%dma_start3A_249 : memref<!tpu.dma_semaphore, #tpu.memory_space<semaphore_mem>>)
          "tpu.trace_stop"() : () -> ()
        } else {
        }
        %and3A_176 = arith.constant true
        %and3A_177 = arith.andi %and3A, %and3A_176 : i1
        %add3A_178 = arith.constant 1 : i32
        %add3A_179 = arith.addi %scan3A_135, %add3A_178 : i32
        %select_n3A_180 = arith.select %and3A_177, %add3A_179, %scan3A_135 : i32
        %ne3A_181 = arith.cmpi ne, %add3A_142, %add3A_151 : i32
        %or3A_182 = arith.constant false
        %or3A_183 = arith.ori %or3A_182, %ne3A_181 : i1
        %or3A_184 = arith.constant false
        %or3A_185 = arith.ori %or3A_183, %or3A_184 : i1
        %or3A_186 = arith.ori %or3A_185, %eq3A_139 : i1
        %convert_element_type3A_187 = arith.extui %or3A_186 : i1 to i32
        %cond3A_188 = arith.constant 0 : i32
        %cond3A_189 = arith.cmpi ne, %convert_element_type3A_187, %cond3A_188 : i32
        scf.if %cond3A_189 {
          "tpu.trace_start"() <{level = 10 : i32, message = "ep_wait_in"}> : () -> ()
          %mul3A_238 = arith.constant 8 : i32
          %mul3A_239 = arith.muli %mul3A_238, %add3A_142 : i32
          %rem3A_240 = arith.constant 2 : i32
          %rem3A_241 = arith.remui %scan3A_136, %rem3A_240 : i32
          %dma_wait3A = arith.constant 0 : i32
          %dma_wait3A_242 = arith.constant 0 : i32
          %dma_wait3A_243 = tpu.memref_slice %run_scoped3A[%rem3A_241, %dma_wait3A, %dma_wait3A_242] : memref<2x8x4096xf32, #tpu.memory_space<vmem>> -> memref<1x8x4096xf32, #tpu.memory_space<vmem>>
          %dma_wait3A_244 = tpu.memref_squeeze %dma_wait3A_243 : memref<1x8x4096xf32, #tpu.memory_space<vmem>> -> memref<8x4096xf32, #tpu.memory_space<vmem>>
          %dma_wait3A_245 = arith.constant 0 : i32
          %dma_wait3A_246 = tpu.memref_slice %arg2[%mul3A_239, %dma_wait3A_245] : memref<6144x4096xf32, #tpu.memory_space<hbm>> -> memref<8x4096xf32, #tpu.memory_space<hbm>>
          %dma_wait3A_247 = tpu.memref_slice %run_scoped3A_38[%rem3A_241] : memref<2x!tpu.dma_semaphore, #tpu.memory_space<semaphore_mem>> -> memref<1x!tpu.dma_semaphore, #tpu.memory_space<semaphore_mem>>
          %dma_wait3A_248 = tpu.memref_squeeze %dma_wait3A_247 : memref<1x!tpu.dma_semaphore, #tpu.memory_space<semaphore_mem>> -> memref<!tpu.dma_semaphore, #tpu.memory_space<semaphore_mem>>
          %dma_wait3A_249 = arith.constant 0 : i32
          %dma_wait3A_250 = arith.constant 0 : i32
          %dma_wait3A_251 = tpu.memref_slice %run_scoped3A[%rem3A_241, %dma_wait3A_249, %dma_wait3A_250] : memref<2x8x4096xf32, #tpu.memory_space<vmem>> -> memref<1x8x4096xf32, #tpu.memory_space<vmem>>
          %dma_wait3A_252 = tpu.memref_squeeze %dma_wait3A_251 : memref<1x8x4096xf32, #tpu.memory_space<vmem>> -> memref<8x4096xf32, #tpu.memory_space<vmem>>
          %dma_wait3A_253 = arith.constant 0 : i32
          %dma_wait3A_254 = tpu.memref_slice %arg2[%mul3A_239, %dma_wait3A_253] : memref<6144x4096xf32, #tpu.memory_space<hbm>> -> memref<8x4096xf32, #tpu.memory_space<hbm>>
          tpu.wait_dma2 semaphore(%dma_wait3A_248 : memref<!tpu.dma_semaphore, #tpu.memory_space<semaphore_mem>>) src(%dma_wait3A_254 : memref<8x4096xf32, #tpu.memory_space<hbm>>) dst(%dma_wait3A_252 : memref<8x4096xf32, #tpu.memory_space<vmem>>)
          "tpu.trace_stop"() : () -> ()
        } else {
        }
        %rem3A_190 = arith.constant 2 : i32
        %rem3A_191 = arith.remui %scan3A_136, %rem3A_190 : i32
        "tpu.trace_start"() <{level = 10 : i32, message = "ep_run_kernel"}> : () -> ()
        %scan3A_192 = arith.constant 0 : i32
        %scan3A_193 = arith.constant 8 : i32
        %scan3A_194 = arith.addi %scan3A_192, %scan3A_193 : i32
        %scan3A_195 = arith.constant 1 : i32
        scf.for %scan3A_238 = %scan3A_192 to %scan3A_194 step %scan3A_195  : i32 {
          %mul3A_239 = arith.constant 1 : i32
          %mul3A_240 = arith.muli %scan3A_238, %mul3A_239 : i32
          %add3A_241 = arith.constant 0 : i32
          %add3A_242 = arith.addi %add3A_241, %mul3A_240 : i32
          %parallel_loop3A = arith.constant 0 : i32
          %parallel_loop3A_243 = arith.constant 256 : i32
          %parallel_loop3A_244 = arith.constant 1 : i32
          scf.for %parallel_loop3A_245 = %parallel_loop3A to %parallel_loop3A_243 step %parallel_loop3A_244  : i32 {
            %parallel_loop3A_246 = arith.constant 16 : i32
            %parallel_loop3A_247 = arith.muli %parallel_loop3A_245, %parallel_loop3A_246 : i32
            %parallel_loop3A_248 = arith.constant 0 : i32
            %parallel_loop3A_249 = arith.constant 0 : i32
            %parallel_loop3A_250 = tpu.memref_slice %run_scoped3A[%rem3A_191, %parallel_loop3A_248, %parallel_loop3A_249] : memref<2x8x4096xf32, #tpu.memory_space<vmem>> -> memref<1x8x4096xf32, #tpu.memory_space<vmem>>
            %parallel_loop3A_251 = tpu.memref_squeeze %parallel_loop3A_250 : memref<1x8x4096xf32, #tpu.memory_space<vmem>> -> memref<8x4096xf32, #tpu.memory_space<vmem>>
            %parallel_loop3A_252 = arith.index_cast %add3A_242 : i32 to index
            %parallel_loop3A_253 = arith.index_cast %parallel_loop3A_247 : i32 to index
            %parallel_loop3A_254 = tpu.vector_load %parallel_loop3A_251[%parallel_loop3A_252, %parallel_loop3A_253] {strides = array<i32>} : memref<8x4096xf32, #tpu.memory_space<vmem>>, vector<16xf32>,
            %parallel_loop3A_255 = vector.bitcast %parallel_loop3A_254 : vector<16xf32> to vector<16xi32>
            %parallel_loop3A_256 = arith.constant 16 : i32
            %parallel_loop3A_257 = vector.broadcast %parallel_loop3A_256 : i32 to vector<16xi32>
            %parallel_loop3A_258 = arith.shrui %parallel_loop3A_255, %parallel_loop3A_257 : vector<16xi32>
            %parallel_loop3A_259 = arith.constant 0 : i32
            %parallel_loop3A_260 = vector.broadcast %parallel_loop3A_259 : i32 to vector<16xi32>
            %parallel_loop3A_261 = arith.cmpi sle, %parallel_loop3A_255, %parallel_loop3A_260 : vector<16xi32>
            %parallel_loop3A_262 = arith.select %parallel_loop3A_261, %add3A_2, %parallel_loop3A_258 : vector<16xi1>, vector<16xi32>
            %parallel_loop3A_263 = arith.constant 7 : i32
            %parallel_loop3A_264 = vector.broadcast %parallel_loop3A_263 : i32 to vector<16xi32>
            %parallel_loop3A_265 = arith.shrui %parallel_loop3A_262, %parallel_loop3A_264 : vector<16xi32>
            %parallel_loop3A_266 = arith.constant 127 : i32
            %parallel_loop3A_267 = vector.broadcast %parallel_loop3A_266 : i32 to vector<16xi32>
            %parallel_loop3A_268 = arith.andi %parallel_loop3A_262, %parallel_loop3A_267 : vector<16xi32>
            tpu.vector_store_idx %arg4[%parallel_loop3A_265, %parallel_loop3A_268], %broadcast_in_dim3A_0 {add = true} : memref<257x128xi32, #tpu.memory_space<vmem>>[vector<16xi32>, vector<16xi32>], vector<16xi32>,
          } {sc.loop_unroll_factor = 8 : i64, sc.parallel_access}
        }
        %scan3A_196 = arith.constant 8 : i32
        "tpu.trace_stop"() : () -> ()
        %ne3A_197 = arith.cmpi ne, %add3A_142, %add3A_160 : i32
        %or3A_198 = arith.constant false
        %or3A_199 = arith.ori %or3A_198, %ne3A_197 : i1
        %or3A_200 = arith.constant false
        %or3A_201 = arith.ori %or3A_199, %or3A_200 : i1
        %or3A_202 = arith.ori %or3A_201, %eq3A_141 : i1
        %convert_element_type3A_203 = arith.extui %or3A_202 : i1 to i32
        %cond3A_204 = arith.constant 0 : i32
        %cond3A_205 = arith.cmpi ne, %convert_element_type3A_203, %cond3A_204 : i32
        scf.if %cond3A_205 {
        } else {
        }
        %and3A_206 = arith.constant false
        %and3A_207 = arith.andi %or3A_202, %and3A_206 : i1
        %ne3A_208 = arith.cmpi ne, %add3A_142, %add3A_151 : i32
        %or3A_209 = arith.constant false
        %or3A_210 = arith.ori %or3A_209, %ne3A_208 : i1
        %or3A_211 = arith.constant false
        %or3A_212 = arith.ori %or3A_210, %or3A_211 : i1
        %not3A_213 = arith.constant true
        %not3A_214 = arith.xori %eq3A_139, %not3A_213 : i1
        %and3A_215 = arith.andi %or3A_212, %not3A_214 : i1
        %convert_element_type3A_216 = arith.extui %and3A_215 : i1 to i32
        %cond3A_217 = arith.constant 0 : i32
        %cond3A_218 = arith.cmpi ne, %convert_element_type3A_216, %cond3A_217 : i32
        scf.if %cond3A_218 {
        } else {
        }
        %and3A_219 = arith.constant false
        %and3A_220 = arith.andi %and3A_215, %and3A_219 : i1
        %ne3A_221 = arith.cmpi ne, %add3A_142, %add3A_160 : i32
        %or3A_222 = arith.constant false
        %or3A_223 = arith.ori %or3A_222, %ne3A_221 : i1
        %or3A_224 = arith.constant false
        %or3A_225 = arith.ori %or3A_223, %or3A_224 : i1
        %or3A_226 = arith.ori %or3A_225, %eq3A_141 : i1
        %add3A_227 = arith.constant 1 : i32
        %add3A_228 = arith.addi %scan3A_136, %add3A_227 : i32
        %select_n3A_229 = arith.select %or3A_226, %add3A_228, %scan3A_136 : i32
        %add3A_230 = arith.constant 1 : i32
        %add3A_231 = arith.addi %scan3A_137, %add3A_230 : i32
        %select_n3A_232 = arith.constant true
        %select_n3A_233 = arith.select %select_n3A_232, %add3A_231, %scan3A_137 : i32
        %eq3A_234 = arith.constant 24 : i32
        %eq3A_235 = arith.cmpi eq, %select_n3A_233, %eq3A_234 : i32
        %select_n3A_236 = arith.constant 0 : i32
        %select_n3A_237 = arith.select %eq3A_235, %select_n3A_236, %select_n3A_233 : i32
        scf.yield %select_n3A_180, %select_n3A_229, %select_n3A_237 : i32, i32, i32
      }
      %scan3A_98 = arith.constant 24 : i32
      %sub3A = arith.constant 1 : i32
      %sub3A_99 = arith.subi %scan3A_97#2, %sub3A : i32
      %select_n3A_100 = arith.constant true
      %select_n3A_101 = arith.select %select_n3A_100, %sub3A_99, %scan3A_97#2 : i32
      %eq3A_102 = arith.constant -1 : i32
      %eq3A_103 = arith.cmpi eq, %select_n3A_101, %eq3A_102 : i32
      %select_n3A_104 = arith.constant 23 : i32
      %select_n3A_105 = arith.select %eq3A_103, %select_n3A_104, %select_n3A_101 : i32
      %add3A_106 = arith.addi %select_n3A_105, %mul3A_16 : i32
      %sub3A_107 = arith.constant 1 : i32
      %sub3A_108 = arith.subi %select_n3A_105, %sub3A_107 : i32
      %select_n3A_109 = arith.constant true
      %select_n3A_110 = arith.select %select_n3A_109, %sub3A_108, %select_n3A_105 : i32
      %eq3A_111 = arith.constant -1 : i32
      %eq3A_112 = arith.cmpi eq, %select_n3A_110, %eq3A_111 : i32
      %select_n3A_113 = arith.constant 23 : i32
      %select_n3A_114 = arith.select %eq3A_112, %select_n3A_113, %select_n3A_110 : i32
      %add3A_115 = arith.addi %select_n3A_114, %mul3A_16 : i32
      %add3A_116 = arith.constant 1 : i32
      %add3A_117 = arith.addi %select_n3A_105, %add3A_116 : i32
      %select_n3A_118 = arith.constant true
      %select_n3A_119 = arith.select %select_n3A_118, %add3A_117, %select_n3A_105 : i32
      %eq3A_120 = arith.constant 24 : i32
      %eq3A_121 = arith.cmpi eq, %select_n3A_119, %eq3A_120 : i32
      %select_n3A_122 = arith.constant 0 : i32
      %select_n3A_123 = arith.select %eq3A_121, %select_n3A_122, %select_n3A_119 : i32
      %add3A_124 = arith.addi %select_n3A_123, %mul3A_16 : i32
      %add3A_125 = arith.constant 1 : i32
      %add3A_126 = arith.addi %select_n3A_123, %add3A_125 : i32
      %select_n3A_127 = arith.constant true
      %select_n3A_128 = arith.select %select_n3A_127, %add3A_126, %select_n3A_123 : i32
      %eq3A_129 = arith.constant 24 : i32
      %eq3A_130 = arith.cmpi eq, %select_n3A_128, %eq3A_129 : i32
      %select_n3A_131 = arith.constant 0 : i32
      %select_n3A_132 = arith.select %eq3A_130, %select_n3A_131, %select_n3A_128 : i32
      %add3A_133 = arith.addi %select_n3A_132, %mul3A_16 : i32
      tpu.yield
    }) : () -> ()
    %get3A = arith.constant 256 : i32
    %get3A_17 = arith.index_cast %get3A : i32 to index
    %get3A_18 = arith.constant 0 : index
    %get3A_19 = tpu.vector_load %arg4[%get3A_17, %get3A_18] {strides = array<i32>} : memref<257x128xi32, #tpu.memory_space<vmem>>, vector<16xi32>,
    %reduce_sum3A = arith.constant true
    %reduce_sum3A_20 = vector.broadcast %reduce_sum3A : i1 to vector<16xi1>
    %reduce_sum3A_21 = tpu.scan <sum>, %get3A_19 masked %reduce_sum3A_20 : vector<16xi32>, vector<16xi1> -> vector<16xi32>
    %reduce_sum3A_22 = vector.extract %reduce_sum3A_21[15] : i32 from vector<16xi32>
    %eq3A = arith.constant 0 : i32
    %eq3A_23 = vector.broadcast %eq3A : i32 to vector<16xi32>
    %eq3A_24 = arith.cmpi eq, %iota3A, %eq3A_23 : vector<16xi32>
    %jit3A = arith.constant 0 : i32
    %broadcast_in_dim3A_25 = vector.broadcast %reduce_sum3A_22 : i32 to vector<16xi32>
    %broadcast_in_dim3A_26 = vector.broadcast %jit3A : i32 to vector<16xi32>
    %select_n3A = arith.select %eq3A_24, %broadcast_in_dim3A_25, %broadcast_in_dim3A_26 : vector<16xi1>, vector<16xi32>
    %get3A_27 = arith.constant 0 : i32
    %get3A_28 = arith.index_cast %get3A_27 : i32 to index
    %get3A_29 = arith.constant 0 : index
    %get3A_30 = tpu.vector_load %arg4[%get3A_28, %get3A_29] {strides = array<i32>} : memref<257x128xi32, #tpu.memory_space<vmem>>, vector<16xi32>,
    %add3A_31 = arith.addi %get3A_30, %select_n3A : vector<16xi32>
    %swap3A = arith.constant 0 : i32
    %swap3A_32 = arith.index_cast %swap3A : i32 to index
    %swap3A_33 = arith.constant 0 : index
    %swap3A_34 = tpu.vector_load %arg4[%swap3A_32, %swap3A_33] {strides = array<i32>} : memref<257x128xi32, #tpu.memory_space<vmem>>, vector<16xi32>,
    tpu.vector_store %arg4[%swap3A_32, %swap3A_33], %add3A_31 {strides = array<i32>} : memref<257x128xi32, #tpu.memory_space<vmem>>, vector<16xi32>,
    %mul3A_35 = arith.constant 16 : i32
    %mul3A_36 = arith.muli %arg0, %mul3A_35 : i32
    %add3A_37 = arith.addi %mul3A_36, %arg1 : i32
    "tpu.region"() ({
      %run_scoped3A = tpu.sem_alloc : memref<!tpu.dma_semaphore, #tpu.memory_space<semaphore_mem>>
      %dma_start3A = arith.constant 0 : i32
      %dma_start3A_38 = arith.constant 0 : i32
      %dma_start3A_39 = tpu.memref_slice %arg4[%dma_start3A, %dma_start3A_38] : memref<257x128xi32, #tpu.memory_space<vmem>> -> memref<256x128xi32, #tpu.memory_space<vmem>>
      %dma_start3A_40 = arith.constant 0 : i32
      %dma_start3A_41 = arith.constant 0 : i32
      %dma_start3A_42 = tpu.memref_slice %arg3[%add3A_37, %dma_start3A_40, %dma_start3A_41] : memref<32x256x128xi32, #tpu.memory_space<hbm>> -> memref<1x256x128xi32, #tpu.memory_space<hbm>>
      %dma_start3A_43 = tpu.memref_squeeze %dma_start3A_42 : memref<1x256x128xi32, #tpu.memory_space<hbm>> -> memref<256x128xi32, #tpu.memory_space<hbm>>
      %dma_start3A_44 = arith.constant 0 : i32
      %dma_start3A_45 = arith.constant 0 : i32
      %dma_start3A_46 = tpu.memref_slice %arg3[%add3A_37, %dma_start3A_44, %dma_start3A_45] : memref<32x256x128xi32, #tpu.memory_space<hbm>> -> memref<1x256x128xi32, #tpu.memory_space<hbm>>
      %dma_start3A_47 = tpu.memref_squeeze %dma_start3A_46 : memref<1x256x128xi32, #tpu.memory_space<hbm>> -> memref<256x128xi32, #tpu.memory_space<hbm>>
      %dma_start3A_48 = arith.constant 0 : i32
      %dma_start3A_49 = arith.constant 0 : i32
      %dma_start3A_50 = tpu.memref_slice %arg4[%dma_start3A_48, %dma_start3A_49] : memref<257x128xi32, #tpu.memory_space<vmem>> -> memref<256x128xi32, #tpu.memory_space<vmem>>
      tpu.enqueue_dma source(%dma_start3A_50 : memref<256x128xi32, #tpu.memory_space<vmem>>) target(%dma_start3A_47 : memref<256x128xi32, #tpu.memory_space<hbm>>) target_semaphore(%run_scoped3A : memref<!tpu.dma_semaphore, #tpu.memory_space<semaphore_mem>>)
      %dma_wait3A = arith.constant 0 : i32
      %dma_wait3A_51 = arith.constant 0 : i32
      %dma_wait3A_52 = tpu.memref_slice %arg4[%dma_wait3A, %dma_wait3A_51] : memref<257x128xi32, #tpu.memory_space<vmem>> -> memref<256x128xi32, #tpu.memory_space<vmem>>
      %dma_wait3A_53 = arith.constant 0 : i32
      %dma_wait3A_54 = arith.constant 0 : i32
      %dma_wait3A_55 = tpu.memref_slice %arg3[%add3A_37, %dma_wait3A_53, %dma_wait3A_54] : memref<32x256x128xi32, #tpu.memory_space<hbm>> -> memref<1x256x128xi32, #tpu.memory_space<hbm>>
      %dma_wait3A_56 = tpu.memref_squeeze %dma_wait3A_55 : memref<1x256x128xi32, #tpu.memory_space<hbm>> -> memref<256x128xi32, #tpu.memory_space<hbm>>
      %dma_wait3A_57 = arith.constant 0 : i32
      %dma_wait3A_58 = arith.constant 0 : i32
      %dma_wait3A_59 = tpu.memref_slice %arg3[%add3A_37, %dma_wait3A_57, %dma_wait3A_58] : memref<32x256x128xi32, #tpu.memory_space<hbm>> -> memref<1x256x128xi32, #tpu.memory_space<hbm>>
      %dma_wait3A_60 = tpu.memref_squeeze %dma_wait3A_59 : memref<1x256x128xi32, #tpu.memory_space<hbm>> -> memref<256x128xi32, #tpu.memory_space<hbm>>
      %dma_wait3A_61 = arith.constant 0 : i32
      %dma_wait3A_62 = arith.constant 0 : i32
      %dma_wait3A_63 = tpu.memref_slice %arg4[%dma_wait3A_61, %dma_wait3A_62] : memref<257x128xi32, #tpu.memory_space<vmem>> -> memref<256x128xi32, #tpu.memory_space<vmem>>
      tpu.wait_dma2 semaphore(%run_scoped3A : memref<!tpu.dma_semaphore, #tpu.memory_space<semaphore_mem>>) src(%dma_wait3A_63 : memref<256x128xi32, #tpu.memory_space<vmem>>) dst(%dma_wait3A_60 : memref<256x128xi32, #tpu.memory_space<hbm>>)
      tpu.yield
    }) : () -> ()
    return
  }
}

#map = affine_map<(d0, d1) -> (0, 0)>
#map1 = affine_map<(d0, d1) -> (0, 0, 0)>
module attributes {stable_mosaic.version = 14 : i64} {
  func.func @_sc_hist_lo_body(%arg0: i32, %arg1: i32, %arg2: memref<6144x4096xf32, #tpu.memory_space<hbm>>, %arg3: memref<8x128xi32, #tpu.memory_space<hbm>>, %arg4: memref<32x512x128xi32, #tpu.memory_space<hbm>>, %arg5: memref<512x128xi32, #tpu.memory_space<vmem>>, %arg6: memref<16xi32, #tpu.memory_space<vmem>>) attributes {dimension_semantics = [#tpu.dimension_semantics<core_parallel>, #tpu.dimension_semantics<subcore_parallel>], iteration_bounds = array<i64: 2, 16>, scalar_prefetch = 0 : i64, scratch_operands = 2 : i64, tpu.core_type = #tpu.core_type<sc_vector_subcore>, window_params = [{transform_indices = #map}, {transform_indices = #map}, {transform_indices = #map1}]} {
    %broadcast_in_dim3A = arith.constant 1 : i32
    %broadcast_in_dim3A_0 = vector.broadcast %broadcast_in_dim3A : i32 to vector<16xi32>
    %broadcast_in_dim3A_1 = arith.constant 0 : i32
    %broadcast_in_dim3A_2 = vector.broadcast %broadcast_in_dim3A_1 : i32 to vector<16xi32>
    %scan3A = arith.constant 0 : i32
    %scan3A_3 = arith.constant 512 : i32
    %scan3A_4 = arith.addi %scan3A, %scan3A_3 : i32
    %scan3A_5 = arith.constant 1 : i32
    scf.for %scan3A_18 = %scan3A to %scan3A_4 step %scan3A_5  : i32 {
      %mul3A_19 = arith.constant 1 : i32
      %mul3A_20 = arith.muli %scan3A_18, %mul3A_19 : i32
      %add3A_21 = arith.constant 0 : i32
      %add3A_22 = arith.addi %add3A_21, %mul3A_20 : i32
      %scan3A_23 = arith.constant 0 : i32
      %scan3A_24 = arith.constant 8 : i32
      %scan3A_25 = arith.addi %scan3A_23, %scan3A_24 : i32
      %scan3A_26 = arith.constant 1 : i32
      scf.for %scan3A_28 = %scan3A_23 to %scan3A_25 step %scan3A_26  : i32 {
        %mul3A_29 = arith.constant 1 : i32
        %mul3A_30 = arith.muli %scan3A_28, %mul3A_29 : i32
        %add3A_31 = arith.constant 0 : i32
        %add3A_32 = arith.addi %add3A_31, %mul3A_30 : i32
        %mul3A_33 = arith.constant 16 : i32
        %mul3A_34 = arith.muli %add3A_32, %mul3A_33 : i32
        %swap3A = arith.index_cast %add3A_22 : i32 to index
        %swap3A_35 = arith.index_cast %mul3A_34 : i32 to index
        %swap3A_36 = tpu.vector_load %arg5[%swap3A, %swap3A_35] {strides = array<i32>} : memref<512x128xi32, #tpu.memory_space<vmem>>, vector<16xi32>,
        tpu.vector_store %arg5[%swap3A, %swap3A_35], %broadcast_in_dim3A_2 {strides = array<i32>} : memref<512x128xi32, #tpu.memory_space<vmem>>, vector<16xi32>,
      }
      %scan3A_27 = arith.constant 8 : i32
    }
    %scan3A_6 = arith.constant 512 : i32
    %run_scoped3A = arith.constant 0 : i32
    "tpu.region"() ({
      %run_scoped3A_18 = tpu.sem_alloc : memref<!tpu.dma_semaphore, #tpu.memory_space<semaphore_mem>>
      %dma_start3A = arith.constant 0 : i32
      %dma_start3A_19 = tpu.memref_slice %arg3[%run_scoped3A, %dma_start3A] : memref<8x128xi32, #tpu.memory_space<hbm>> -> memref<1x16xi32, #tpu.memory_space<hbm>>
      %dma_start3A_20 = tpu.memref_squeeze %dma_start3A_19 : memref<1x16xi32, #tpu.memory_space<hbm>> -> memref<16xi32, #tpu.memory_space<hbm>>
      %dma_start3A_21 = arith.constant 0 : i32
      %dma_start3A_22 = tpu.memref_slice %arg3[%run_scoped3A, %dma_start3A_21] : memref<8x128xi32, #tpu.memory_space<hbm>> -> memref<1x16xi32, #tpu.memory_space<hbm>>
      %dma_start3A_23 = tpu.memref_squeeze %dma_start3A_22 : memref<1x16xi32, #tpu.memory_space<hbm>> -> memref<16xi32, #tpu.memory_space<hbm>>
      tpu.enqueue_dma source(%dma_start3A_23 : memref<16xi32, #tpu.memory_space<hbm>>) target(%arg6 : memref<16xi32, #tpu.memory_space<vmem>>) target_semaphore(%run_scoped3A_18 : memref<!tpu.dma_semaphore, #tpu.memory_space<semaphore_mem>>)
      %dma_wait3A = arith.constant 0 : i32
      %dma_wait3A_24 = tpu.memref_slice %arg3[%run_scoped3A, %dma_wait3A] : memref<8x128xi32, #tpu.memory_space<hbm>> -> memref<1x16xi32, #tpu.memory_space<hbm>>
      %dma_wait3A_25 = tpu.memref_squeeze %dma_wait3A_24 : memref<1x16xi32, #tpu.memory_space<hbm>> -> memref<16xi32, #tpu.memory_space<hbm>>
      %dma_wait3A_26 = arith.constant 0 : i32
      %dma_wait3A_27 = tpu.memref_slice %arg3[%run_scoped3A, %dma_wait3A_26] : memref<8x128xi32, #tpu.memory_space<hbm>> -> memref<1x16xi32, #tpu.memory_space<hbm>>
      %dma_wait3A_28 = tpu.memref_squeeze %dma_wait3A_27 : memref<1x16xi32, #tpu.memory_space<hbm>> -> memref<16xi32, #tpu.memory_space<hbm>>
      tpu.wait_dma2 semaphore(%run_scoped3A_18 : memref<!tpu.dma_semaphore, #tpu.memory_space<semaphore_mem>>) src(%dma_wait3A_28 : memref<16xi32, #tpu.memory_space<hbm>>) dst(%arg6 : memref<16xi32, #tpu.memory_space<vmem>>)
      tpu.yield
    }) : () -> ()
    %get3A = arith.constant 0 : index
    %get3A_7 = tpu.vector_load %arg6[%get3A] {strides = array<i32>} : memref<16xi32, #tpu.memory_space<vmem>>, vector<16xi32>,
    %mul3A = arith.constant 1 : i32
    %mul3A_8 = arith.muli %arg1, %mul3A : i32
    %add3A = arith.constant 0 : i32
    %add3A_9 = arith.addi %add3A, %mul3A_8 : i32
    %mul3A_10 = arith.constant 16 : i32
    %mul3A_11 = arith.muli %arg0, %mul3A_10 : i32
    %add3A_12 = arith.addi %add3A_9, %mul3A_11 : i32
    %mul3A_13 = arith.constant 24 : i32
    %mul3A_14 = arith.muli %add3A_12, %mul3A_13 : i32
    "tpu.region"() ({
      %run_scoped3A_18 = memref.alloca() : memref<2x8x2048xf32, #tpu.memory_space<vmem>>
      %run_scoped3A_19 = tpu.sem_alloc : memref<2x!tpu.dma_semaphore, #tpu.memory_space<semaphore_mem>>
      %add3A_20 = arith.constant 0 : i32
      %add3A_21 = arith.addi %add3A_20, %mul3A_14 : i32
      %select_n3A = arith.constant true
      %select_n3A_22 = arith.constant 0 : i32
      %select_n3A_23 = arith.constant -1 : i32
      %select_n3A_24 = arith.select %select_n3A, %select_n3A_23, %select_n3A_22 : i32
      %eq3A = arith.constant -1 : i32
      %eq3A_25 = arith.cmpi eq, %select_n3A_24, %eq3A : i32
      %select_n3A_26 = arith.constant 1 : i32
      %select_n3A_27 = arith.select %eq3A_25, %select_n3A_26, %select_n3A_24 : i32
      %select_n3A_28 = arith.constant 0 : i32
      %select_n3A_29 = arith.constant -1 : i32
      %select_n3A_30 = arith.select %eq3A_25, %select_n3A_29, %select_n3A_28 : i32
      %eq3A_31 = arith.constant -1 : i32
      %eq3A_32 = arith.cmpi eq, %select_n3A_30, %eq3A_31 : i32
      %select_n3A_33 = arith.constant 23 : i32
      %select_n3A_34 = arith.select %eq3A_32, %select_n3A_33, %select_n3A_30 : i32
      %add3A_35 = arith.addi %select_n3A_34, %mul3A_14 : i32
      %add3A_36 = arith.constant 0 : i32
      %add3A_37 = arith.addi %select_n3A_27, %add3A_36 : i32
      %select_n3A_38 = arith.constant true
      %select_n3A_39 = arith.constant 0 : i32
      %select_n3A_40 = arith.constant 1 : i32
      %select_n3A_41 = arith.select %select_n3A_38, %select_n3A_40, %select_n3A_39 : i32
      %eq3A_42 = arith.constant 2 : i32
      %eq3A_43 = arith.cmpi eq, %select_n3A_41, %eq3A_42 : i32
      %select_n3A_44 = arith.constant 0 : i32
      %select_n3A_45 = arith.select %eq3A_43, %select_n3A_44, %select_n3A_41 : i32
      %select_n3A_46 = arith.constant 0 : i32
      %select_n3A_47 = arith.constant 1 : i32
      %select_n3A_48 = arith.select %eq3A_43, %select_n3A_47, %select_n3A_46 : i32
      %eq3A_49 = arith.constant 24 : i32
      %eq3A_50 = arith.cmpi eq, %select_n3A_48, %eq3A_49 : i32
      %select_n3A_51 = arith.constant 0 : i32
      %select_n3A_52 = arith.select %eq3A_50, %select_n3A_51, %select_n3A_48 : i32
      %add3A_53 = arith.addi %select_n3A_52, %mul3A_14 : i32
      %add3A_54 = arith.constant 0 : i32
      %add3A_55 = arith.addi %select_n3A_45, %add3A_54 : i32
      %add3A_56 = arith.constant 1 : i32
      %add3A_57 = arith.addi %select_n3A_45, %add3A_56 : i32
      %select_n3A_58 = arith.constant true
      %select_n3A_59 = arith.select %select_n3A_58, %add3A_57, %select_n3A_45 : i32
      %eq3A_60 = arith.constant 2 : i32
      %eq3A_61 = arith.cmpi eq, %select_n3A_59, %eq3A_60 : i32
      %select_n3A_62 = arith.constant 0 : i32
      %select_n3A_63 = arith.select %eq3A_61, %select_n3A_62, %select_n3A_59 : i32
      %add3A_64 = arith.constant 1 : i32
      %add3A_65 = arith.addi %select_n3A_52, %add3A_64 : i32
      %select_n3A_66 = arith.select %eq3A_61, %add3A_65, %select_n3A_52 : i32
      %eq3A_67 = arith.constant 24 : i32
      %eq3A_68 = arith.cmpi eq, %select_n3A_66, %eq3A_67 : i32
      %select_n3A_69 = arith.constant 0 : i32
      %select_n3A_70 = arith.select %eq3A_68, %select_n3A_69, %select_n3A_66 : i32
      %add3A_71 = arith.addi %select_n3A_70, %mul3A_14 : i32
      %add3A_72 = arith.constant 0 : i32
      %add3A_73 = arith.addi %select_n3A_63, %add3A_72 : i32
      "tpu.trace_start"() <{level = 10 : i32, message = "ep_initialize_0"}> : () -> ()
      %rem3A = arith.constant 0 : i32
      %rem3A_74 = arith.constant 2 : i32
      %rem3A_75 = arith.remui %rem3A, %rem3A_74 : i32
      %mul3A_76 = arith.constant 8 : i32
      %mul3A_77 = arith.muli %mul3A_76, %add3A_21 : i32
      %dma_start3A = arith.constant 0 : i32
      %dma_start3A_78 = arith.constant 0 : i32
      %dma_start3A_79 = tpu.memref_slice %run_scoped3A_18[%rem3A_75, %dma_start3A, %dma_start3A_78] : memref<2x8x2048xf32, #tpu.memory_space<vmem>> -> memref<1x8x2048xf32, #tpu.memory_space<vmem>>
      %dma_start3A_80 = tpu.memref_squeeze %dma_start3A_79 : memref<1x8x2048xf32, #tpu.memory_space<vmem>> -> memref<8x2048xf32, #tpu.memory_space<vmem>>
      %dma_start3A_81 = arith.constant 0 : i32
      %dma_start3A_82 = tpu.memref_slice %arg2[%mul3A_77, %dma_start3A_81] : memref<6144x4096xf32, #tpu.memory_space<hbm>> -> memref<8x2048xf32, #tpu.memory_space<hbm>>
      %dma_start3A_83 = tpu.memref_slice %run_scoped3A_19[%rem3A_75] : memref<2x!tpu.dma_semaphore, #tpu.memory_space<semaphore_mem>> -> memref<1x!tpu.dma_semaphore, #tpu.memory_space<semaphore_mem>>
      %dma_start3A_84 = tpu.memref_squeeze %dma_start3A_83 : memref<1x!tpu.dma_semaphore, #tpu.memory_space<semaphore_mem>> -> memref<!tpu.dma_semaphore, #tpu.memory_space<semaphore_mem>>
      %dma_start3A_85 = arith.constant 0 : i32
      %dma_start3A_86 = arith.constant 0 : i32
      %dma_start3A_87 = tpu.memref_slice %run_scoped3A_18[%rem3A_75, %dma_start3A_85, %dma_start3A_86] : memref<2x8x2048xf32, #tpu.memory_space<vmem>> -> memref<1x8x2048xf32, #tpu.memory_space<vmem>>
      %dma_start3A_88 = tpu.memref_squeeze %dma_start3A_87 : memref<1x8x2048xf32, #tpu.memory_space<vmem>> -> memref<8x2048xf32, #tpu.memory_space<vmem>>
      %dma_start3A_89 = arith.constant 0 : i32
      %dma_start3A_90 = tpu.memref_slice %arg2[%mul3A_77, %dma_start3A_89] : memref<6144x4096xf32, #tpu.memory_space<hbm>> -> memref<8x2048xf32, #tpu.memory_space<hbm>>
      tpu.enqueue_dma source(%dma_start3A_90 : memref<8x2048xf32, #tpu.memory_space<hbm>>) target(%dma_start3A_88 : memref<8x2048xf32, #tpu.memory_space<vmem>>) target_semaphore(%dma_start3A_84 : memref<!tpu.dma_semaphore, #tpu.memory_space<semaphore_mem>>)
      %add3A_91 = arith.constant 0 : i32
      %add3A_92 = arith.constant 1 : i32
      %add3A_93 = arith.addi %add3A_91, %add3A_92 : i32
      %select_n3A_94 = arith.constant true
      %select_n3A_95 = arith.constant 0 : i32
      %select_n3A_96 = arith.select %select_n3A_94, %add3A_93, %select_n3A_95 : i32
      "tpu.trace_stop"() : () -> ()
      %scan3A_97 = arith.constant 0 : i32
      %scan3A_98 = arith.constant 0 : i32
      %scan3A_99 = arith.constant 0 : i32
      %scan3A_100 = arith.constant 0 : i32
      %scan3A_101 = arith.constant 48 : i32
      %scan3A_102 = arith.addi %scan3A_100, %scan3A_101 : i32
      %scan3A_103 = arith.constant 1 : i32
      %scan3A_104:4 = scf.for %scan3A_177 = %scan3A_100 to %scan3A_102 step %scan3A_103 iter_args(%scan3A_178 = %select_n3A_96, %scan3A_179 = %scan3A_97, %scan3A_180 = %scan3A_98, %scan3A_181 = %scan3A_99) -> (i32, i32, i32, i32)  : i32 {
        %eq3A_182 = arith.constant 0 : i32
        %eq3A_183 = arith.cmpi eq, %scan3A_177, %eq3A_182 : i32
        %eq3A_184 = arith.constant 47 : i32
        %eq3A_185 = arith.cmpi eq, %scan3A_177, %eq3A_184 : i32
        %add3A_186 = arith.addi %scan3A_180, %mul3A_14 : i32
        %add3A_187 = arith.constant 0 : i32
        %add3A_188 = arith.addi %scan3A_181, %add3A_187 : i32
        %sub3A_189 = arith.constant 1 : i32
        %sub3A_190 = arith.subi %scan3A_181, %sub3A_189 : i32
        %select_n3A_191 = arith.constant true
        %select_n3A_192 = arith.select %select_n3A_191, %sub3A_190, %scan3A_181 : i32
        %eq3A_193 = arith.constant -1 : i32
        %eq3A_194 = arith.cmpi eq, %select_n3A_192, %eq3A_193 : i32
        %select_n3A_195 = arith.constant 1 : i32
        %select_n3A_196 = arith.select %eq3A_194, %select_n3A_195, %select_n3A_192 : i32
        %sub3A_197 = arith.constant 1 : i32
        %sub3A_198 = arith.subi %scan3A_180, %sub3A_197 : i32
        %select_n3A_199 = arith.select %eq3A_194, %sub3A_198, %scan3A_180 : i32
        %eq3A_200 = arith.constant -1 : i32
        %eq3A_201 = arith.cmpi eq, %select_n3A_199, %eq3A_200 : i32
        %select_n3A_202 = arith.constant 23 : i32
        %select_n3A_203 = arith.select %eq3A_201, %select_n3A_202, %select_n3A_199 : i32
        %add3A_204 = arith.addi %select_n3A_203, %mul3A_14 : i32
        %add3A_205 = arith.constant 0 : i32
        %add3A_206 = arith.addi %select_n3A_196, %add3A_205 : i32
        %add3A_207 = arith.constant 1 : i32
        %add3A_208 = arith.addi %scan3A_181, %add3A_207 : i32
        %select_n3A_209 = arith.constant true
        %select_n3A_210 = arith.select %select_n3A_209, %add3A_208, %scan3A_181 : i32
        %eq3A_211 = arith.constant 2 : i32
        %eq3A_212 = arith.cmpi eq, %select_n3A_210, %eq3A_211 : i32
        %select_n3A_213 = arith.constant 0 : i32
        %select_n3A_214 = arith.select %eq3A_212, %select_n3A_213, %select_n3A_210 : i32
        %add3A_215 = arith.constant 1 : i32
        %add3A_216 = arith.addi %scan3A_180, %add3A_215 : i32
        %select_n3A_217 = arith.select %eq3A_212, %add3A_216, %scan3A_180 : i32
        %eq3A_218 = arith.constant 24 : i32
        %eq3A_219 = arith.cmpi eq, %select_n3A_217, %eq3A_218 : i32
        %select_n3A_220 = arith.constant 0 : i32
        %select_n3A_221 = arith.select %eq3A_219, %select_n3A_220, %select_n3A_217 : i32
        %add3A_222 = arith.addi %select_n3A_221, %mul3A_14 : i32
        %add3A_223 = arith.constant 0 : i32
        %add3A_224 = arith.addi %select_n3A_214, %add3A_223 : i32
        %add3A_225 = arith.constant 1 : i32
        %add3A_226 = arith.addi %select_n3A_214, %add3A_225 : i32
        %select_n3A_227 = arith.constant true
        %select_n3A_228 = arith.select %select_n3A_227, %add3A_226, %select_n3A_214 : i32
        %eq3A_229 = arith.constant 2 : i32
        %eq3A_230 = arith.cmpi eq, %select_n3A_228, %eq3A_229 : i32
        %select_n3A_231 = arith.constant 0 : i32
        %select_n3A_232 = arith.select %eq3A_230, %select_n3A_231, %select_n3A_228 : i32
        %add3A_233 = arith.constant 1 : i32
        %add3A_234 = arith.addi %select_n3A_221, %add3A_233 : i32
        %select_n3A_235 = arith.select %eq3A_230, %add3A_234, %select_n3A_221 : i32
        %eq3A_236 = arith.constant 24 : i32
        %eq3A_237 = arith.cmpi eq, %select_n3A_235, %eq3A_236 : i32
        %select_n3A_238 = arith.constant 0 : i32
        %select_n3A_239 = arith.select %eq3A_237, %select_n3A_238, %select_n3A_235 : i32
        %add3A_240 = arith.addi %select_n3A_239, %mul3A_14 : i32
        %add3A_241 = arith.constant 0 : i32
        %add3A_242 = arith.addi %select_n3A_232, %add3A_241 : i32
        %ne3A = arith.cmpi ne, %add3A_186, %add3A_222 : i32
        %ne3A_243 = arith.cmpi ne, %add3A_188, %add3A_224 : i32
        %or3A = arith.constant false
        %or3A_244 = arith.ori %or3A, %ne3A : i1
        %or3A_245 = arith.ori %or3A_244, %ne3A_243 : i1
        %ge3A = arith.constant 47 : i32
        %ge3A_246 = arith.cmpi sge, %scan3A_177, %ge3A : i32
        %not3A = arith.constant true
        %not3A_247 = arith.xori %ge3A_246, %not3A : i1
        %and3A = arith.andi %or3A_245, %not3A_247 : i1
        %convert_element_type3A = arith.extui %and3A : i1 to i32
        %cond3A = arith.constant 0 : i32
        %cond3A_248 = arith.cmpi ne, %convert_element_type3A, %cond3A : i32
        scf.if %cond3A_248 {
          "tpu.trace_start"() <{level = 10 : i32, message = "ep_copy_in"}> : () -> ()
          %rem3A_318 = arith.constant 2 : i32
          %rem3A_319 = arith.remui %scan3A_178, %rem3A_318 : i32
          %mul3A_320 = arith.constant 8 : i32
          %mul3A_321 = arith.muli %mul3A_320, %add3A_222 : i32
          %mul3A_322 = arith.constant 2048 : i32
          %mul3A_323 = arith.muli %mul3A_322, %add3A_224 : i32
          %dma_start3A_324 = arith.constant 0 : i32
          %dma_start3A_325 = arith.constant 0 : i32
          %dma_start3A_326 = tpu.memref_slice %run_scoped3A_18[%rem3A_319, %dma_start3A_324, %dma_start3A_325] : memref<2x8x2048xf32, #tpu.memory_space<vmem>> -> memref<1x8x2048xf32, #tpu.memory_space<vmem>>
          %dma_start3A_327 = tpu.memref_squeeze %dma_start3A_326 : memref<1x8x2048xf32, #tpu.memory_space<vmem>> -> memref<8x2048xf32, #tpu.memory_space<vmem>>
          %dma_start3A_328 = tpu.memref_slice %arg2[%mul3A_321, %mul3A_323] : memref<6144x4096xf32, #tpu.memory_space<hbm>> -> memref<8x2048xf32, #tpu.memory_space<hbm>>
          %dma_start3A_329 = tpu.memref_slice %run_scoped3A_19[%rem3A_319] : memref<2x!tpu.dma_semaphore, #tpu.memory_space<semaphore_mem>> -> memref<1x!tpu.dma_semaphore, #tpu.memory_space<semaphore_mem>>
          %dma_start3A_330 = tpu.memref_squeeze %dma_start3A_329 : memref<1x!tpu.dma_semaphore, #tpu.memory_space<semaphore_mem>> -> memref<!tpu.dma_semaphore, #tpu.memory_space<semaphore_mem>>
          %dma_start3A_331 = arith.constant 0 : i32
          %dma_start3A_332 = arith.constant 0 : i32
          %dma_start3A_333 = tpu.memref_slice %run_scoped3A_18[%rem3A_319, %dma_start3A_331, %dma_start3A_332] : memref<2x8x2048xf32, #tpu.memory_space<vmem>> -> memref<1x8x2048xf32, #tpu.memory_space<vmem>>
          %dma_start3A_334 = tpu.memref_squeeze %dma_start3A_333 : memref<1x8x2048xf32, #tpu.memory_space<vmem>> -> memref<8x2048xf32, #tpu.memory_space<vmem>>
          %dma_start3A_335 = tpu.memref_slice %arg2[%mul3A_321, %mul3A_323] : memref<6144x4096xf32, #tpu.memory_space<hbm>> -> memref<8x2048xf32, #tpu.memory_space<hbm>>
          tpu.enqueue_dma source(%dma_start3A_335 : memref<8x2048xf32, #tpu.memory_space<hbm>>) target(%dma_start3A_334 : memref<8x2048xf32, #tpu.memory_space<vmem>>) target_semaphore(%dma_start3A_330 : memref<!tpu.dma_semaphore, #tpu.memory_space<semaphore_mem>>)
          "tpu.trace_stop"() : () -> ()
        } else {
        }
        %and3A_249 = arith.constant true
        %and3A_250 = arith.andi %and3A, %and3A_249 : i1
        %add3A_251 = arith.constant 1 : i32
        %add3A_252 = arith.addi %scan3A_178, %add3A_251 : i32
        %select_n3A_253 = arith.select %and3A_250, %add3A_252, %scan3A_178 : i32
        %ne3A_254 = arith.cmpi ne, %add3A_186, %add3A_204 : i32
        %ne3A_255 = arith.cmpi ne, %add3A_188, %add3A_206 : i32
        %or3A_256 = arith.constant false
        %or3A_257 = arith.ori %or3A_256, %ne3A_254 : i1
        %or3A_258 = arith.ori %or3A_257, %ne3A_255 : i1
        %or3A_259 = arith.ori %or3A_258, %eq3A_183 : i1
        %convert_element_type3A_260 = arith.extui %or3A_259 : i1 to i32
        %cond3A_261 = arith.constant 0 : i32
        %cond3A_262 = arith.cmpi ne, %convert_element_type3A_260, %cond3A_261 : i32
        scf.if %cond3A_262 {
          "tpu.trace_start"() <{level = 10 : i32, message = "ep_wait_in"}> : () -> ()
          %mul3A_318 = arith.constant 8 : i32
          %mul3A_319 = arith.muli %mul3A_318, %add3A_186 : i32
          %mul3A_320 = arith.constant 2048 : i32
          %mul3A_321 = arith.muli %mul3A_320, %add3A_188 : i32
          %rem3A_322 = arith.constant 2 : i32
          %rem3A_323 = arith.remui %scan3A_179, %rem3A_322 : i32
          %dma_wait3A = arith.constant 0 : i32
          %dma_wait3A_324 = arith.constant 0 : i32
          %dma_wait3A_325 = tpu.memref_slice %run_scoped3A_18[%rem3A_323, %dma_wait3A, %dma_wait3A_324] : memref<2x8x2048xf32, #tpu.memory_space<vmem>> -> memref<1x8x2048xf32, #tpu.memory_space<vmem>>
          %dma_wait3A_326 = tpu.memref_squeeze %dma_wait3A_325 : memref<1x8x2048xf32, #tpu.memory_space<vmem>> -> memref<8x2048xf32, #tpu.memory_space<vmem>>
          %dma_wait3A_327 = tpu.memref_slice %arg2[%mul3A_319, %mul3A_321] : memref<6144x4096xf32, #tpu.memory_space<hbm>> -> memref<8x2048xf32, #tpu.memory_space<hbm>>
          %dma_wait3A_328 = tpu.memref_slice %run_scoped3A_19[%rem3A_323] : memref<2x!tpu.dma_semaphore, #tpu.memory_space<semaphore_mem>> -> memref<1x!tpu.dma_semaphore, #tpu.memory_space<semaphore_mem>>
          %dma_wait3A_329 = tpu.memref_squeeze %dma_wait3A_328 : memref<1x!tpu.dma_semaphore, #tpu.memory_space<semaphore_mem>> -> memref<!tpu.dma_semaphore, #tpu.memory_space<semaphore_mem>>
          %dma_wait3A_330 = arith.constant 0 : i32
          %dma_wait3A_331 = arith.constant 0 : i32
          %dma_wait3A_332 = tpu.memref_slice %run_scoped3A_18[%rem3A_323, %dma_wait3A_330, %dma_wait3A_331] : memref<2x8x2048xf32, #tpu.memory_space<vmem>> -> memref<1x8x2048xf32, #tpu.memory_space<vmem>>
          %dma_wait3A_333 = tpu.memref_squeeze %dma_wait3A_332 : memref<1x8x2048xf32, #tpu.memory_space<vmem>> -> memref<8x2048xf32, #tpu.memory_space<vmem>>
          %dma_wait3A_334 = tpu.memref_slice %arg2[%mul3A_319, %mul3A_321] : memref<6144x4096xf32, #tpu.memory_space<hbm>> -> memref<8x2048xf32, #tpu.memory_space<hbm>>
          tpu.wait_dma2 semaphore(%dma_wait3A_329 : memref<!tpu.dma_semaphore, #tpu.memory_space<semaphore_mem>>) src(%dma_wait3A_334 : memref<8x2048xf32, #tpu.memory_space<hbm>>) dst(%dma_wait3A_333 : memref<8x2048xf32, #tpu.memory_space<vmem>>)
          "tpu.trace_stop"() : () -> ()
        } else {
        }
        %rem3A_263 = arith.constant 2 : i32
        %rem3A_264 = arith.remui %scan3A_179, %rem3A_263 : i32
        "tpu.trace_start"() <{level = 10 : i32, message = "ep_run_kernel"}> : () -> ()
        %scan3A_265 = arith.constant 0 : i32
        %scan3A_266 = arith.constant 8 : i32
        %scan3A_267 = arith.addi %scan3A_265, %scan3A_266 : i32
        %scan3A_268 = arith.constant 1 : i32
        scf.for %scan3A_318 = %scan3A_265 to %scan3A_267 step %scan3A_268  : i32 {
          %mul3A_319 = arith.constant 1 : i32
          %mul3A_320 = arith.muli %scan3A_318, %mul3A_319 : i32
          %add3A_321 = arith.constant 0 : i32
          %add3A_322 = arith.addi %add3A_321, %mul3A_320 : i32
          %parallel_loop3A = arith.constant 0 : i32
          %parallel_loop3A_323 = arith.constant 128 : i32
          %parallel_loop3A_324 = arith.constant 1 : i32
          scf.for %parallel_loop3A_325 = %parallel_loop3A to %parallel_loop3A_323 step %parallel_loop3A_324  : i32 {
            %parallel_loop3A_326 = arith.constant 16 : i32
            %parallel_loop3A_327 = arith.muli %parallel_loop3A_325, %parallel_loop3A_326 : i32
            %parallel_loop3A_328 = arith.constant 0 : i32
            %parallel_loop3A_329 = arith.constant 0 : i32
            %parallel_loop3A_330 = tpu.memref_slice %run_scoped3A_18[%rem3A_264, %parallel_loop3A_328, %parallel_loop3A_329] : memref<2x8x2048xf32, #tpu.memory_space<vmem>> -> memref<1x8x2048xf32, #tpu.memory_space<vmem>>
            %parallel_loop3A_331 = tpu.memref_squeeze %parallel_loop3A_330 : memref<1x8x2048xf32, #tpu.memory_space<vmem>> -> memref<8x2048xf32, #tpu.memory_space<vmem>>
            %parallel_loop3A_332 = arith.index_cast %add3A_322 : i32 to index
            %parallel_loop3A_333 = arith.index_cast %parallel_loop3A_327 : i32 to index
            %parallel_loop3A_334 = tpu.vector_load %parallel_loop3A_331[%parallel_loop3A_332, %parallel_loop3A_333] {strides = array<i32>} : memref<8x2048xf32, #tpu.memory_space<vmem>>, vector<16xf32>,
            %parallel_loop3A_335 = vector.bitcast %parallel_loop3A_334 : vector<16xf32> to vector<16xi32>
            %parallel_loop3A_336 = arith.constant 16 : i32
            %parallel_loop3A_337 = vector.broadcast %parallel_loop3A_336 : i32 to vector<16xi32>
            %parallel_loop3A_338 = arith.shrsi %parallel_loop3A_335, %parallel_loop3A_337 : vector<16xi32>
            %parallel_loop3A_339 = arith.cmpi eq, %parallel_loop3A_338, %get3A_7 : vector<16xi32>
            %parallel_loop3A_340 = arith.constant 7 : i32
            %parallel_loop3A_341 = vector.broadcast %parallel_loop3A_340 : i32 to vector<16xi32>
            %parallel_loop3A_342 = arith.shrui %parallel_loop3A_335, %parallel_loop3A_341 : vector<16xi32>
            %parallel_loop3A_343 = arith.constant 511 : i32
            %parallel_loop3A_344 = vector.broadcast %parallel_loop3A_343 : i32 to vector<16xi32>
            %parallel_loop3A_345 = arith.andi %parallel_loop3A_342, %parallel_loop3A_344 : vector<16xi32>
            %parallel_loop3A_346 = arith.constant 127 : i32
            %parallel_loop3A_347 = vector.broadcast %parallel_loop3A_346 : i32 to vector<16xi32>
            %parallel_loop3A_348 = arith.andi %parallel_loop3A_335, %parallel_loop3A_347 : vector<16xi32>
            tpu.vector_store_idx %arg5[%parallel_loop3A_345, %parallel_loop3A_348], %broadcast_in_dim3A_0 masked %parallel_loop3A_339 {add = true} : memref<512x128xi32, #tpu.memory_space<vmem>>[vector<16xi32>, vector<16xi32>], vector<16xi32>, vector<16xi1>
          } {sc.loop_unroll_factor = 8 : i64, sc.parallel_access}
        }
        %scan3A_269 = arith.constant 8 : i32
        "tpu.trace_stop"() : () -> ()
        %ne3A_270 = arith.cmpi ne, %add3A_186, %add3A_222 : i32
        %ne3A_271 = arith.cmpi ne, %add3A_188, %add3A_224 : i32
        %or3A_272 = arith.constant false
        %or3A_273 = arith.ori %or3A_272, %ne3A_270 : i1
        %or3A_274 = arith.ori %or3A_273, %ne3A_271 : i1
        %or3A_275 = arith.ori %or3A_274, %eq3A_185 : i1
        %convert_element_type3A_276 = arith.extui %or3A_275 : i1 to i32
        %cond3A_277 = arith.constant 0 : i32
        %cond3A_278 = arith.cmpi ne, %convert_element_type3A_276, %cond3A_277 : i32
        scf.if %cond3A_278 {
        } else {
        }
        %and3A_279 = arith.constant false
        %and3A_280 = arith.andi %or3A_275, %and3A_279 : i1
        %ne3A_281 = arith.cmpi ne, %add3A_186, %add3A_204 : i32
        %ne3A_282 = arith.cmpi ne, %add3A_188, %add3A_206 : i32
        %or3A_283 = arith.constant false
        %or3A_284 = arith.ori %or3A_283, %ne3A_281 : i1
        %or3A_285 = arith.ori %or3A_284, %ne3A_282 : i1
        %not3A_286 = arith.constant true
        %not3A_287 = arith.xori %eq3A_183, %not3A_286 : i1
        %and3A_288 = arith.andi %or3A_285, %not3A_287 : i1
        %convert_element_type3A_289 = arith.extui %and3A_288 : i1 to i32
        %cond3A_290 = arith.constant 0 : i32
        %cond3A_291 = arith.cmpi ne, %convert_element_type3A_289, %cond3A_290 : i32
        scf.if %cond3A_291 {
        } else {
        }
        %and3A_292 = arith.constant false
        %and3A_293 = arith.andi %and3A_288, %and3A_292 : i1
        %ne3A_294 = arith.cmpi ne, %add3A_186, %add3A_222 : i32
        %ne3A_295 = arith.cmpi ne, %add3A_188, %add3A_224 : i32
        %or3A_296 = arith.constant false
        %or3A_297 = arith.ori %or3A_296, %ne3A_294 : i1
        %or3A_298 = arith.ori %or3A_297, %ne3A_295 : i1
        %or3A_299 = arith.ori %or3A_298, %eq3A_185 : i1
        %add3A_300 = arith.constant 1 : i32
        %add3A_301 = arith.addi %scan3A_179, %add3A_300 : i32
        %select_n3A_302 = arith.select %or3A_299, %add3A_301, %scan3A_179 : i32
        %add3A_303 = arith.constant 1 : i32
        %add3A_304 = arith.addi %scan3A_181, %add3A_303 : i32
        %select_n3A_305 = arith.constant true
        %select_n3A_306 = arith.select %select_n3A_305, %add3A_304, %scan3A_181 : i32
        %eq3A_307 = arith.constant 2 : i32
        %eq3A_308 = arith.cmpi eq, %select_n3A_306, %eq3A_307 : i32
        %select_n3A_309 = arith.constant 0 : i32
        %select_n3A_310 = arith.select %eq3A_308, %select_n3A_309, %select_n3A_306 : i32
        %add3A_311 = arith.constant 1 : i32
        %add3A_312 = arith.addi %scan3A_180, %add3A_311 : i32
        %select_n3A_313 = arith.select %eq3A_308, %add3A_312, %scan3A_180 : i32
        %eq3A_314 = arith.constant 24 : i32
        %eq3A_315 = arith.cmpi eq, %select_n3A_313, %eq3A_314 : i32
        %select_n3A_316 = arith.constant 0 : i32
        %select_n3A_317 = arith.select %eq3A_315, %select_n3A_316, %select_n3A_313 : i32
        scf.yield %select_n3A_253, %select_n3A_302, %select_n3A_317, %select_n3A_310 : i32, i32, i32, i32
      }
      %scan3A_105 = arith.constant 48 : i32
      %sub3A = arith.constant 1 : i32
      %sub3A_106 = arith.subi %scan3A_104#3, %sub3A : i32
      %select_n3A_107 = arith.constant true
      %select_n3A_108 = arith.select %select_n3A_107, %sub3A_106, %scan3A_104#3 : i32
      %eq3A_109 = arith.constant -1 : i32
      %eq3A_110 = arith.cmpi eq, %select_n3A_108, %eq3A_109 : i32
      %select_n3A_111 = arith.constant 1 : i32
      %select_n3A_112 = arith.select %eq3A_110, %select_n3A_111, %select_n3A_108 : i32
      %sub3A_113 = arith.constant 1 : i32
      %sub3A_114 = arith.subi %scan3A_104#2, %sub3A_113 : i32
      %select_n3A_115 = arith.select %eq3A_110, %sub3A_114, %scan3A_104#2 : i32
      %eq3A_116 = arith.constant -1 : i32
      %eq3A_117 = arith.cmpi eq, %select_n3A_115, %eq3A_116 : i32
      %select_n3A_118 = arith.constant 23 : i32
      %select_n3A_119 = arith.select %eq3A_117, %select_n3A_118, %select_n3A_115 : i32
      %add3A_120 = arith.addi %select_n3A_119, %mul3A_14 : i32
      %add3A_121 = arith.constant 0 : i32
      %add3A_122 = arith.addi %select_n3A_112, %add3A_121 : i32
      %sub3A_123 = arith.constant 1 : i32
      %sub3A_124 = arith.subi %select_n3A_112, %sub3A_123 : i32
      %select_n3A_125 = arith.constant true
      %select_n3A_126 = arith.select %select_n3A_125, %sub3A_124, %select_n3A_112 : i32
      %eq3A_127 = arith.constant -1 : i32
      %eq3A_128 = arith.cmpi eq, %select_n3A_126, %eq3A_127 : i32
      %select_n3A_129 = arith.constant 1 : i32
      %select_n3A_130 = arith.select %eq3A_128, %select_n3A_129, %select_n3A_126 : i32
      %sub3A_131 = arith.constant 1 : i32
      %sub3A_132 = arith.subi %select_n3A_119, %sub3A_131 : i32
      %select_n3A_133 = arith.select %eq3A_128, %sub3A_132, %select_n3A_119 : i32
      %eq3A_134 = arith.constant -1 : i32
      %eq3A_135 = arith.cmpi eq, %select_n3A_133, %eq3A_134 : i32
      %select_n3A_136 = arith.constant 23 : i32
      %select_n3A_137 = arith.select %eq3A_135, %select_n3A_136, %select_n3A_133 : i32
      %add3A_138 = arith.addi %select_n3A_137, %mul3A_14 : i32
      %add3A_139 = arith.constant 0 : i32
      %add3A_140 = arith.addi %select_n3A_130, %add3A_139 : i32
      %add3A_141 = arith.constant 1 : i32
      %add3A_142 = arith.addi %select_n3A_112, %add3A_141 : i32
      %select_n3A_143 = arith.constant true
      %select_n3A_144 = arith.select %select_n3A_143, %add3A_142, %select_n3A_112 : i32
      %eq3A_145 = arith.constant 2 : i32
      %eq3A_146 = arith.cmpi eq, %select_n3A_144, %eq3A_145 : i32
      %select_n3A_147 = arith.constant 0 : i32
      %select_n3A_148 = arith.select %eq3A_146, %select_n3A_147, %select_n3A_144 : i32
      %add3A_149 = arith.constant 1 : i32
      %add3A_150 = arith.addi %select_n3A_119, %add3A_149 : i32
      %select_n3A_151 = arith.select %eq3A_146, %add3A_150, %select_n3A_119 : i32
      %eq3A_152 = arith.constant 24 : i32
      %eq3A_153 = arith.cmpi eq, %select_n3A_151, %eq3A_152 : i32
      %select_n3A_154 = arith.constant 0 : i32
      %select_n3A_155 = arith.select %eq3A_153, %select_n3A_154, %select_n3A_151 : i32
      %add3A_156 = arith.addi %select_n3A_155, %mul3A_14 : i32
      %add3A_157 = arith.constant 0 : i32
      %add3A_158 = arith.addi %select_n3A_148, %add3A_157 : i32
      %add3A_159 = arith.constant 1 : i32
      %add3A_160 = arith.addi %select_n3A_148, %add3A_159 : i32
      %select_n3A_161 = arith.constant true
      %select_n3A_162 = arith.select %select_n3A_161, %add3A_160, %select_n3A_148 : i32
      %eq3A_163 = arith.constant 2 : i32
      %eq3A_164 = arith.cmpi eq, %select_n3A_162, %eq3A_163 : i32
      %select_n3A_165 = arith.constant 0 : i32
      %select_n3A_166 = arith.select %eq3A_164, %select_n3A_165, %select_n3A_162 : i32
      %add3A_167 = arith.constant 1 : i32
      %add3A_168 = arith.addi %select_n3A_155, %add3A_167 : i32
      %select_n3A_169 = arith.select %eq3A_164, %add3A_168, %select_n3A_155 : i32
      %eq3A_170 = arith.constant 24 : i32
      %eq3A_171 = arith.cmpi eq, %select_n3A_169, %eq3A_170 : i32
      %select_n3A_172 = arith.constant 0 : i32
      %select_n3A_173 = arith.select %eq3A_171, %select_n3A_172, %select_n3A_169 : i32
      %add3A_174 = arith.addi %select_n3A_173, %mul3A_14 : i32
      %add3A_175 = arith.constant 0 : i32
      %add3A_176 = arith.addi %select_n3A_166, %add3A_175 : i32
      tpu.yield
    }) : () -> ()
    %mul3A_15 = arith.constant 16 : i32
    %mul3A_16 = arith.muli %arg0, %mul3A_15 : i32
    %add3A_17 = arith.addi %mul3A_16, %arg1 : i32
    "tpu.region"() ({
      %run_scoped3A_18 = tpu.sem_alloc : memref<!tpu.dma_semaphore, #tpu.memory_space<semaphore_mem>>
      %dma_start3A = arith.constant 0 : i32
      %dma_start3A_19 = arith.constant 0 : i32
      %dma_start3A_20 = tpu.memref_slice %arg4[%add3A_17, %dma_start3A, %dma_start3A_19] : memref<32x512x128xi32, #tpu.memory_space<hbm>> -> memref<1x512x128xi32, #tpu.memory_space<hbm>>
      %dma_start3A_21 = tpu.memref_squeeze %dma_start3A_20 : memref<1x512x128xi32, #tpu.memory_space<hbm>> -> memref<512x128xi32, #tpu.memory_space<hbm>>
      %dma_start3A_22 = arith.constant 0 : i32
      %dma_start3A_23 = arith.constant 0 : i32
      %dma_start3A_24 = tpu.memref_slice %arg4[%add3A_17, %dma_start3A_22, %dma_start3A_23] : memref<32x512x128xi32, #tpu.memory_space<hbm>> -> memref<1x512x128xi32, #tpu.memory_space<hbm>>
      %dma_start3A_25 = tpu.memref_squeeze %dma_start3A_24 : memref<1x512x128xi32, #tpu.memory_space<hbm>> -> memref<512x128xi32, #tpu.memory_space<hbm>>
      tpu.enqueue_dma source(%arg5 : memref<512x128xi32, #tpu.memory_space<vmem>>) target(%dma_start3A_25 : memref<512x128xi32, #tpu.memory_space<hbm>>) target_semaphore(%run_scoped3A_18 : memref<!tpu.dma_semaphore, #tpu.memory_space<semaphore_mem>>)
      %dma_wait3A = arith.constant 0 : i32
      %dma_wait3A_26 = arith.constant 0 : i32
      %dma_wait3A_27 = tpu.memref_slice %arg4[%add3A_17, %dma_wait3A, %dma_wait3A_26] : memref<32x512x128xi32, #tpu.memory_space<hbm>> -> memref<1x512x128xi32, #tpu.memory_space<hbm>>
      %dma_wait3A_28 = tpu.memref_squeeze %dma_wait3A_27 : memref<1x512x128xi32, #tpu.memory_space<hbm>> -> memref<512x128xi32, #tpu.memory_space<hbm>>
      %dma_wait3A_29 = arith.constant 0 : i32
      %dma_wait3A_30 = arith.constant 0 : i32
      %dma_wait3A_31 = tpu.memref_slice %arg4[%add3A_17, %dma_wait3A_29, %dma_wait3A_30] : memref<32x512x128xi32, #tpu.memory_space<hbm>> -> memref<1x512x128xi32, #tpu.memory_space<hbm>>
      %dma_wait3A_32 = tpu.memref_squeeze %dma_wait3A_31 : memref<1x512x128xi32, #tpu.memory_space<hbm>> -> memref<512x128xi32, #tpu.memory_space<hbm>>
      tpu.wait_dma2 semaphore(%run_scoped3A_18 : memref<!tpu.dma_semaphore, #tpu.memory_space<semaphore_mem>>) src(%arg5 : memref<512x128xi32, #tpu.memory_space<vmem>>) dst(%dma_wait3A_32 : memref<512x128xi32, #tpu.memory_space<hbm>>)
      tpu.yield
    }) : () -> ()
    return
  }
}

module attributes {stable_mosaic.version = 14 : i64} {
  func.func @_tc_find_hi_body(%arg0: memref<32x256x128xi32, #tpu.memory_space<vmem>>, %arg1: memref<8x128xi32, #tpu.memory_space<vmem>>) attributes {dimension_semantics = [], scalar_prefetch = 0 : i64, scratch_operands = 0 : i64, tpu.core_type = #tpu.core_type<tc>} {
    %get3A = arith.constant 0 : index
    %get3A_0 = arith.constant 0 : index
    %get3A_1 = arith.constant 0 : index
    %get3A_2 = vector.load %arg0[%get3A, %get3A_0, %get3A_1] : memref<32x256x128xi32, #tpu.memory_space<vmem>>, vector<32x256x128xi32>
    %reduce_sum3A = arith.constant dense<0> : vector<256x128xi32>
    %reduce_sum3A_3 = vector.multi_reduction <add>, %get3A_2, %reduce_sum3A [0] : vector<32x256x128xi32> to vector<256x128xi32>
    %iota3A = tpu.iota {dimensions = array<i32: 0>} : vector<256x128xi32>
    %iota3A_4 = tpu.iota {dimensions = array<i32: 1>} : vector<256x128xi32>
    %mul3A = arith.constant 128 : i32
    %mul3A_5 = vector.broadcast %mul3A : i32 to vector<256x128xi32>
    %mul3A_6 = arith.muli %iota3A, %mul3A_5 : vector<256x128xi32>
    %add3A = arith.addi %mul3A_6, %iota3A_4 : vector<256x128xi32>
    %scan3A = arith.constant 0 : i32
    %scan3A_7 = arith.constant 32768 : i32
    %scan3A_8 = arith.constant 0 : i32
    %scan3A_9 = arith.constant 15 : i32
    %scan3A_10 = arith.addi %scan3A_8, %scan3A_9 : i32
    %scan3A_11 = arith.constant 1 : i32
    %scan3A_12:2 = scf.for %scan3A_34 = %scan3A_8 to %scan3A_10 step %scan3A_11 iter_args(%scan3A_35 = %scan3A, %scan3A_36 = %scan3A_7) -> (i32, i32)  : i32 {
      %add3A_37 = arith.addi %scan3A_35, %scan3A_36 : i32
      %jit3A_38 = arith.constant 2 : i32
      %div3A = arith.divsi %add3A_37, %jit3A_38 : i32
      %sign3A = arith.constant 0 : i32
      %sign3A_39 = arith.cmpi sgt, %add3A_37, %sign3A : i32
      %sign3A_40 = arith.extui %sign3A_39 : i1 to i32
      %sign3A_41 = arith.constant 0 : i32
      %sign3A_42 = arith.cmpi slt, %add3A_37, %sign3A_41 : i32
      %sign3A_43 = arith.extui %sign3A_42 : i1 to i32
      %sign3A_44 = arith.subi %sign3A_40, %sign3A_43 : i32
      %sign3A_45 = arith.constant 0 : i32
      %sign3A_46 = arith.cmpi sgt, %jit3A_38, %sign3A_45 : i32
      %sign3A_47 = arith.extui %sign3A_46 : i1 to i32
      %sign3A_48 = arith.constant 0 : i32
      %sign3A_49 = arith.cmpi slt, %jit3A_38, %sign3A_48 : i32
      %sign3A_50 = arith.extui %sign3A_49 : i1 to i32
      %sign3A_51 = arith.subi %sign3A_47, %sign3A_50 : i32
      %ne3A = arith.cmpi ne, %sign3A_44, %sign3A_51 : i32
      %rem3A = arith.remsi %add3A_37, %jit3A_38 : i32
      %ne3A_52 = arith.constant 0 : i32
      %ne3A_53 = arith.cmpi ne, %rem3A, %ne3A_52 : i32
      %and3A = arith.andi %ne3A, %ne3A_53 : i1
      %sub3A_54 = arith.constant 1 : i32
      %sub3A_55 = arith.subi %div3A, %sub3A_54 : i32
      %select_n3A_56 = arith.select %and3A, %sub3A_55, %div3A : i32
      %ge3A = vector.broadcast %select_n3A_56 : i32 to vector<256x128xi32>
      %ge3A_57 = arith.cmpi sge, %add3A, %ge3A : vector<256x128xi32>
      %jit3A_58 = arith.constant 0 : i32
      %broadcast_in_dim3A_59 = vector.broadcast %jit3A_58 : i32 to vector<256x128xi32>
      %select_n3A_60 = arith.select %ge3A_57, %reduce_sum3A_3, %broadcast_in_dim3A_59 : vector<256x128xi1>, vector<256x128xi32>
      %reduce_sum3A_61 = vector.shape_cast %select_n3A_60 : vector<256x128xi32> to vector<1x256x128xi32>
      %reduce_sum3A_62 = arith.constant dense<0> : vector<1xi32>
      %reduce_sum3A_63 = vector.multi_reduction <add>, %reduce_sum3A_61, %reduce_sum3A_62 [1, 2] : vector<1x256x128xi32> to vector<1xi32>
      %reduce_sum3A_64 = vector.shape_cast %reduce_sum3A_63 : vector<1xi32> to vector<1x1x1xi32>
      %reduce_sum3A_65 = vector.extract %reduce_sum3A_64[0, 0, 0] : i32 from vector<1x1x1xi32>
      %ge3A_66 = arith.constant 131072 : i32
      %ge3A_67 = arith.cmpi sge, %reduce_sum3A_65, %ge3A_66 : i32
      %select_n3A_68 = arith.select %ge3A_67, %select_n3A_56, %scan3A_35 : i32
      %select_n3A_69 = arith.select %ge3A_67, %scan3A_36, %select_n3A_56 : i32
      scf.yield %select_n3A_68, %select_n3A_69 : i32, i32
    }
    %gt3A = vector.broadcast %scan3A_12#0 : i32 to vector<256x128xi32>
    %gt3A_13 = arith.cmpi sgt, %add3A, %gt3A : vector<256x128xi32>
    %jit3A = arith.constant 0 : i32
    %broadcast_in_dim3A = vector.broadcast %jit3A : i32 to vector<256x128xi32>
    %select_n3A = arith.select %gt3A_13, %reduce_sum3A_3, %broadcast_in_dim3A : vector<256x128xi1>, vector<256x128xi32>
    %reduce_sum3A_14 = vector.shape_cast %select_n3A : vector<256x128xi32> to vector<1x256x128xi32>
    %reduce_sum3A_15 = arith.constant dense<0> : vector<1xi32>
    %reduce_sum3A_16 = vector.multi_reduction <add>, %reduce_sum3A_14, %reduce_sum3A_15 [1, 2] : vector<1x256x128xi32> to vector<1xi32>
    %reduce_sum3A_17 = vector.shape_cast %reduce_sum3A_16 : vector<1xi32> to vector<1x1x1xi32>
    %reduce_sum3A_18 = vector.extract %reduce_sum3A_17[0, 0, 0] : i32 from vector<1x1x1xi32>
    %sub3A = arith.constant 131072 : i32
    %sub3A_19 = arith.subi %sub3A, %reduce_sum3A_18 : i32
    %iota3A_20 = tpu.iota {dimensions = array<i32: 0>} : vector<8x128xi32>
    %eq3A = arith.constant 0 : i32
    %eq3A_21 = vector.broadcast %eq3A : i32 to vector<8x128xi32>
    %eq3A_22 = arith.cmpi eq, %iota3A_20, %eq3A_21 : vector<8x128xi32>
    %eq3A_23 = arith.constant 1 : i32
    %eq3A_24 = vector.broadcast %eq3A_23 : i32 to vector<8x128xi32>
    %eq3A_25 = arith.cmpi eq, %iota3A_20, %eq3A_24 : vector<8x128xi32>
    %jit3A_26 = arith.constant 0 : i32
    %broadcast_in_dim3A_27 = vector.broadcast %sub3A_19 : i32 to vector<8x128xi32>
    %broadcast_in_dim3A_28 = vector.broadcast %jit3A_26 : i32 to vector<8x128xi32>
    %select_n3A_29 = arith.select %eq3A_25, %broadcast_in_dim3A_27, %broadcast_in_dim3A_28 : vector<8x128xi1>, vector<8x128xi32>
    %broadcast_in_dim3A_30 = vector.broadcast %scan3A_12#0 : i32 to vector<8x128xi32>
    %select_n3A_31 = arith.select %eq3A_22, %broadcast_in_dim3A_30, %select_n3A_29 : vector<8x128xi1>, vector<8x128xi32>
    %swap3A = arith.constant 0 : index
    %swap3A_32 = arith.constant 0 : index
    %swap3A_33 = vector.load %arg1[%swap3A, %swap3A_32] : memref<8x128xi32, #tpu.memory_space<vmem>>, vector<8x128xi32>
    tpu.vector_store %arg1[%swap3A, %swap3A_32], %select_n3A_31 {strides = array<i32>} : memref<8x128xi32, #tpu.memory_space<vmem>>, vector<8x128xi32>,
    return
  }
}

module attributes {stable_mosaic.version = 14 : i64} {
  func.func @_tc_mask_body(%arg0: i32, %arg1: memref<32x512x128xi32, #tpu.memory_space<vmem>>, %arg2: memref<8x128xi32, #tpu.memory_space<vmem>>, %arg3: memref<12x32x4096xf32, #tpu.memory_space<vmem>>, %arg4: memref<12x32x4096xf32, #tpu.memory_space<vmem>>, %arg5: memref<1xi32, #tpu.memory_space<smem>>) attributes {dimension_semantics = [#tpu.dimension_semantics<arbitrary>], iteration_bounds = array<i64: 16>, scalar_prefetch = 0 : i64, scratch_operands = 1 : i64, tpu.core_type = #tpu.core_type<tc>, window_params = [{pipeline_mode = #tpu.pipeline_mode<synchronous>, transform_indices = @transform_0, window_bounds = array<i64: 32, 512, 128>}, {pipeline_mode = #tpu.pipeline_mode<synchronous>, transform_indices = @transform_1, window_bounds = array<i64: 8, 128>}, {transform_indices = @transform_2, window_bounds = array<i64: 12, 32, 4096>}, {transform_indices = @transform_3, window_bounds = array<i64: 12, 32, 4096>}]} {
    %eq3A = arith.constant 0 : i32
    %eq3A_0 = arith.cmpi eq, %arg0, %eq3A : i32
    %convert_element_type3A = arith.extui %eq3A_0 : i1 to i32
    %cond3A = arith.constant 0 : i32
    %cond3A_1 = arith.cmpi ne, %convert_element_type3A, %cond3A : i32
    scf.if %cond3A_1 {
      %get3A_14 = arith.constant 0 : index
      %get3A_15 = arith.constant 0 : index
      %get3A_16 = vector.load %arg2[%get3A_14, %get3A_15] : memref<8x128xi32, #tpu.memory_space<vmem>>, vector<1x1xi32>
      %get3A_17 = vector.extract %get3A_16[0, 0] : i32 from vector<1x1xi32>
      %get3A_18 = arith.constant 1 : index
      %get3A_19 = arith.constant 0 : index
      %get3A_20 = vector.load %arg2[%get3A_18, %get3A_19] : memref<8x128xi32, #tpu.memory_space<vmem>>, vector<1x1xi32>
      %get3A_21 = vector.extract %get3A_20[0, 0] : i32 from vector<1x1xi32>
      %get3A_22 = arith.constant 0 : index
      %get3A_23 = arith.constant 0 : index
      %get3A_24 = arith.constant 0 : index
      %get3A_25 = vector.load %arg1[%get3A_22, %get3A_23, %get3A_24] : memref<32x512x128xi32, #tpu.memory_space<vmem>>, vector<32x512x128xi32>
      %reduce_sum3A = arith.constant dense<0> : vector<512x128xi32>
      %reduce_sum3A_26 = vector.multi_reduction <add>, %get3A_25, %reduce_sum3A [0] : vector<32x512x128xi32> to vector<512x128xi32>
      %iota3A = tpu.iota {dimensions = array<i32: 0>} : vector<512x128xi32>
      %iota3A_27 = tpu.iota {dimensions = array<i32: 1>} : vector<512x128xi32>
      %mul3A = arith.constant 128 : i32
      %mul3A_28 = vector.broadcast %mul3A : i32 to vector<512x128xi32>
      %mul3A_29 = arith.muli %iota3A, %mul3A_28 : vector<512x128xi32>
      %add3A = arith.addi %mul3A_29, %iota3A_27 : vector<512x128xi32>
      %scan3A = arith.constant 0 : i32
      %scan3A_30 = arith.constant 65536 : i32
      %scan3A_31 = arith.constant 0 : i32
      %scan3A_32 = arith.constant 16 : i32
      %scan3A_33 = arith.addi %scan3A_31, %scan3A_32 : i32
      %scan3A_34 = arith.constant 1 : i32
      %scan3A_35:2 = scf.for %scan3A_63 = %scan3A_31 to %scan3A_33 step %scan3A_34 iter_args(%scan3A_64 = %scan3A, %scan3A_65 = %scan3A_30) -> (i32, i32)  : i32 {
        %add3A_66 = arith.addi %scan3A_64, %scan3A_65 : i32
        %jit3A_67 = arith.constant 2 : i32
        %div3A = arith.divsi %add3A_66, %jit3A_67 : i32
        %sign3A = arith.constant 0 : i32
        %sign3A_68 = arith.cmpi sgt, %add3A_66, %sign3A : i32
        %sign3A_69 = arith.extui %sign3A_68 : i1 to i32
        %sign3A_70 = arith.constant 0 : i32
        %sign3A_71 = arith.cmpi slt, %add3A_66, %sign3A_70 : i32
        %sign3A_72 = arith.extui %sign3A_71 : i1 to i32
        %sign3A_73 = arith.subi %sign3A_69, %sign3A_72 : i32
        %sign3A_74 = arith.constant 0 : i32
        %sign3A_75 = arith.cmpi sgt, %jit3A_67, %sign3A_74 : i32
        %sign3A_76 = arith.extui %sign3A_75 : i1 to i32
        %sign3A_77 = arith.constant 0 : i32
        %sign3A_78 = arith.cmpi slt, %jit3A_67, %sign3A_77 : i32
        %sign3A_79 = arith.extui %sign3A_78 : i1 to i32
        %sign3A_80 = arith.subi %sign3A_76, %sign3A_79 : i32
        %ne3A = arith.cmpi ne, %sign3A_73, %sign3A_80 : i32
        %rem3A = arith.remsi %add3A_66, %jit3A_67 : i32
        %ne3A_81 = arith.constant 0 : i32
        %ne3A_82 = arith.cmpi ne, %rem3A, %ne3A_81 : i32
        %and3A = arith.andi %ne3A, %ne3A_82 : i1
        %sub3A_83 = arith.constant 1 : i32
        %sub3A_84 = arith.subi %div3A, %sub3A_83 : i32
        %select_n3A_85 = arith.select %and3A, %sub3A_84, %div3A : i32
        %ge3A_86 = vector.broadcast %select_n3A_85 : i32 to vector<512x128xi32>
        %ge3A_87 = arith.cmpi sge, %add3A, %ge3A_86 : vector<512x128xi32>
        %jit3A_88 = arith.constant 0 : i32
        %broadcast_in_dim3A_89 = vector.broadcast %jit3A_88 : i32 to vector<512x128xi32>
        %select_n3A_90 = arith.select %ge3A_87, %reduce_sum3A_26, %broadcast_in_dim3A_89 : vector<512x128xi1>, vector<512x128xi32>
        %reduce_sum3A_91 = vector.shape_cast %select_n3A_90 : vector<512x128xi32> to vector<1x512x128xi32>
        %reduce_sum3A_92 = arith.constant dense<0> : vector<1xi32>
        %reduce_sum3A_93 = vector.multi_reduction <add>, %reduce_sum3A_91, %reduce_sum3A_92 [1, 2] : vector<1x512x128xi32> to vector<1xi32>
        %reduce_sum3A_94 = vector.shape_cast %reduce_sum3A_93 : vector<1xi32> to vector<1x1x1xi32>
        %reduce_sum3A_95 = vector.extract %reduce_sum3A_94[0, 0, 0] : i32 from vector<1x1x1xi32>
        %ge3A_96 = arith.cmpi sge, %reduce_sum3A_95, %get3A_21 : i32
        %select_n3A_97 = arith.select %ge3A_96, %select_n3A_85, %scan3A_64 : i32
        %select_n3A_98 = arith.select %ge3A_96, %scan3A_65, %select_n3A_85 : i32
        scf.yield %select_n3A_97, %select_n3A_98 : i32, i32
      }
      %gt3A = vector.broadcast %scan3A_35#0 : i32 to vector<512x128xi32>
      %gt3A_36 = arith.cmpi sgt, %add3A, %gt3A : vector<512x128xi32>
      %jit3A_37 = arith.constant 0 : i32
      %broadcast_in_dim3A_38 = vector.broadcast %jit3A_37 : i32 to vector<512x128xi32>
      %select_n3A_39 = arith.select %gt3A_36, %reduce_sum3A_26, %broadcast_in_dim3A_38 : vector<512x128xi1>, vector<512x128xi32>
      %reduce_sum3A_40 = vector.shape_cast %select_n3A_39 : vector<512x128xi32> to vector<1x512x128xi32>
      %reduce_sum3A_41 = arith.constant dense<0> : vector<1xi32>
      %reduce_sum3A_42 = vector.multi_reduction <add>, %reduce_sum3A_40, %reduce_sum3A_41 [1, 2] : vector<1x512x128xi32> to vector<1xi32>
      %reduce_sum3A_43 = vector.shape_cast %reduce_sum3A_42 : vector<1xi32> to vector<1x1x1xi32>
      %reduce_sum3A_44 = vector.extract %reduce_sum3A_43[0, 0, 0] : i32 from vector<1x1x1xi32>
      %eq3A_45 = vector.broadcast %scan3A_35#0 : i32 to vector<512x128xi32>
      %eq3A_46 = arith.cmpi eq, %add3A, %eq3A_45 : vector<512x128xi32>
      %jit3A_47 = arith.constant 0 : i32
      %broadcast_in_dim3A_48 = vector.broadcast %jit3A_47 : i32 to vector<512x128xi32>
      %select_n3A_49 = arith.select %eq3A_46, %reduce_sum3A_26, %broadcast_in_dim3A_48 : vector<512x128xi1>, vector<512x128xi32>
      %reduce_sum3A_50 = vector.shape_cast %select_n3A_49 : vector<512x128xi32> to vector<1x512x128xi32>
      %reduce_sum3A_51 = arith.constant dense<0> : vector<1xi32>
      %reduce_sum3A_52 = vector.multi_reduction <add>, %reduce_sum3A_50, %reduce_sum3A_51 [1, 2] : vector<1x512x128xi32> to vector<1xi32>
      %reduce_sum3A_53 = vector.shape_cast %reduce_sum3A_52 : vector<1xi32> to vector<1x1x1xi32>
      %reduce_sum3A_54 = vector.extract %reduce_sum3A_53[0, 0, 0] : i32 from vector<1x1x1xi32>
      %sub3A = arith.subi %get3A_21, %reduce_sum3A_44 : i32
      %shift_left3A = arith.constant 16 : i32
      %shift_left3A_55 = arith.shli %get3A_17, %shift_left3A : i32
      %or3A = arith.ori %shift_left3A_55, %scan3A_35#0 : i32
      %mul3A_56 = arith.constant 2 : i32
      %mul3A_57 = arith.muli %mul3A_56, %sub3A : i32
      %lt3A = arith.cmpi slt, %mul3A_57, %reduce_sum3A_54 : i32
      %add3A_58 = arith.constant 1 : i32
      %add3A_59 = arith.addi %or3A, %add3A_58 : i32
      %select_n3A_60 = arith.select %lt3A, %add3A_59, %or3A : i32
      %swap3A_61 = arith.constant 0 : index
      %swap3A_62 = memref.load %arg5[%swap3A_61] : memref<1xi32, #tpu.memory_space<smem>>
      memref.store %select_n3A_60, %arg5[%swap3A_61] : memref<1xi32, #tpu.memory_space<smem>>
    } else {
    }
    %get3A = arith.constant 0 : index
    %get3A_2 = memref.load %arg5[%get3A] : memref<1xi32, #tpu.memory_space<smem>>
    %get3A_3 = arith.constant 0 : index
    %get3A_4 = arith.constant 0 : index
    %get3A_5 = arith.constant 0 : index
    %get3A_6 = vector.load %arg3[%get3A_3, %get3A_4, %get3A_5] : memref<12x32x4096xf32, #tpu.memory_space<vmem>>, vector<12x32x4096xf32>
    %bitcast_convert_type3A = tpu.bitcast %get3A_6 : vector<12x32x4096xf32> -> vector<12x32x4096xi32>
    %max3A = arith.constant 0 : i32
    %max3A_7 = vector.broadcast %max3A : i32 to vector<12x32x4096xi32>
    %max3A_8 = arith.maxsi %bitcast_convert_type3A, %max3A_7 : vector<12x32x4096xi32>
    %ge3A = vector.broadcast %get3A_2 : i32 to vector<12x32x4096xi32>
    %ge3A_9 = arith.cmpi sge, %max3A_8, %ge3A : vector<12x32x4096xi32>
    %jit3A = arith.constant 0 : i32
    %broadcast_in_dim3A = vector.broadcast %jit3A : i32 to vector<12x32x4096xi32>
    %select_n3A = arith.select %ge3A_9, %max3A_8, %broadcast_in_dim3A : vector<12x32x4096xi1>, vector<12x32x4096xi32>
    %bitcast_convert_type3A_10 = tpu.bitcast %select_n3A : vector<12x32x4096xi32> -> vector<12x32x4096xf32>
    %swap3A = arith.constant 0 : index
    %swap3A_11 = arith.constant 0 : index
    %swap3A_12 = arith.constant 0 : index
    %swap3A_13 = vector.load %arg4[%swap3A, %swap3A_11, %swap3A_12] : memref<12x32x4096xf32, #tpu.memory_space<vmem>>, vector<12x32x4096xf32>
    tpu.vector_store %arg4[%swap3A, %swap3A_11, %swap3A_12], %bitcast_convert_type3A_10 {strides = array<i32>} : memref<12x32x4096xf32, #tpu.memory_space<vmem>>, vector<12x32x4096xf32>,
    return
  }
  func.func @transform_0(%arg0: i32) -> (i32, i32, i32) {
    %c0_i32 = arith.constant 0 : i32
    %c0_i32_0 = arith.constant 0 : i32
    %c0_i32_1 = arith.constant 0 : i32
    %c0_i32_2 = arith.constant 0 : i32
    return %c0_i32, %c0_i32_0, %c0_i32_1 : i32, i32, i32
  }
  func.func @transform_1(%arg0: i32) -> (i32, i32) {
    %c0_i32 = arith.constant 0 : i32
    %c0_i32_0 = arith.constant 0 : i32
    %c0_i32_1 = arith.constant 0 : i32
    return %c0_i32, %c0_i32_0 : i32, i32
  }
  func.func @transform_2(%arg0: i32) -> (i32, i32, i32) {
    %c0_i32 = arith.constant 0 : i32
    %c0_i32_0 = arith.constant 0 : i32
    %c0_i32_1 = arith.constant 0 : i32
    return %c0_i32, %arg0, %c0_i32_0 : i32, i32, i32
  }
  func.func @transform_3(%arg0: i32) -> (i32, i32, i32) {
    %c0_i32 = arith.constant 0 : i32
    %c0_i32_0 = arith.constant 0 : i32
    %c0_i32_1 = arith.constant 0 : i32
    return %c0_i32, %arg0, %c0_i32_0 : i32, i32, i32
  }
}

</mosaic_0001>

<sc_bundles>
// kernel: kernel.6.cloned.1.call-start
scs
__scs_entry_jumppad:
0x0: {  	(pc) =	sbr.rel $0x88, $3  }
0x1: {  	(tag) =	ssettag $0x0;
	lr =	simm.s32 $0x1  }
0x2: {  	[smem:$0x3FA0] =	sst lr;
	_ =	strace $0xD0000000  }
0x3: {  	_ = 	snop  }
0x4: {  	_ = 	snop  }
0x5: {  	_ = 	snop  }
0x6: {  	_ = 	snop  }
0x7: {  	_ = 	snop  }
__scs_overlays_trampoline_lowered:
0x8: {  	[smem:$0x3FAF] =	sst s0  }
0x9: {  	[smem:$0x3FB0] =	sst s1  }
0xa: {  	[smem:$0x3FB1] =	sst s2  }
0xb: {  	[smem:$0x3FB2] =	sst s3  }
0xc: {  	[smem:$0x3FB3] =	sst s4  }
0xd: {  	[smem:$0x3FB4] =	sst s5  }
0xe: {  	[smem:$0x3FB5] =	sst s6  }
0xf: {  	[smem:$0x3FB6] =	sst s7  }
0x10: {  	[smem:$0x3FB7] =	sst s8  }
0x11: {  	[smem:$0x3FB8] =	sst s9;
	s0 =	simm.s32 @!p0 $0x0  }
0x12: {  	s1 =	sld [smem:$0x3F9E];
	s0 =	simm.s32 @p0 $0x1  }
0x13: {  	[smem:$0x3FB9] =	sst s0;
	s0 =	simm.s32 @!p1 $0x0  }
0x14: {  	s2 =	sld [smem:$0x3F9D];
	s0 =	simm.s32 @p1 $0x1  }
0x15: {  	[smem:$0x3FBA] =	sst s0;
	s0 =	simm.s32 @!p2 $0x0  }
0x16: {  	s3 =	sld [smem:$0x3FDB];
	s0 =	simm.s32 @p2 $0x1  }
0x17: {  	s4 =	simm.s32 $0x1BF5;
	[smem:$0x3FBC] =	sst s0  }
0x18: {  	s0 =	sld [smem:$0x3F9F];
	_ =	swait.ge [sflag:s4], $0x0  }
0x19: {  	s7 =	sld [smem:$0x3FA0]  }
0x1a: {  	s8 =	sadd.s32 $0xFFFFE003, lr  }
0x1b: {  	s9 =	sadd.s32 $0xFFFFFEF7, lr;
	s5 =	simm.s32 $0xFFFFFFFF;
	p2 =	slt.u32 s8, $0xFFFFF086  }
0x1c: {  	p1 =	slt.u32 s9, $0xF7A;
	s5 =	simm.s32 @!p2 $0x0  }
0x1d: {  	s5 =	simm.s32 @p1 $0x1;
	p0 =	seq.s32 s7, s2  }
0x1e: {  	s7 =	smul.u32 @!p0 $0xF7A, s2;
	p2 =	seq.s32 @!p0 s5, $0x0  }
0x1f: {  	s9 =	smul.u32 $0xF7A, s1;
	s8 =	simm.s32 @!p0 $0x1BF5;
	p2 =	por !p2, p0  }
0x20: {  	[sflag:s8] =	ssyncset.s32 @!p0 $0xFFFFF086;
	s6 =	sadd.s32 @!p0 s3, s7;
	s7 =	simm.s32 @!p0 $0x108  }
0x21: {  	s3 =	sadd.s32 s3, s9;
	s6 =	sadd.s32 @!p0 $0x88, s6;
	s7 =	simm.s32 @p2 $0x1082  }
0x22: {  	[simem:s7], [sflag:s8] =	dma.local @!p0 [hbm:s6], $0xF7A  }
0x23: {  	s9 =	sor.u32 $0xD0000000, s2;
	s6 =	simm.s32 $0x108;
	_ =	swait.ge @!p0 [sflag:s8], $0x0  }
0x24: {  	s3 =	sadd.s32 $0x88, s3;
	s6 =	simm.s32 @!p1 $0x1082;
	[sflag:s4] =	ssyncset.s32 $0xFFFFF086  }
0x25: {  	[simem:s6], [sflag:s4] =	dma.local [hbm:s3], $0xF7A  }
0x26: {  	[smem:$0x3FA0] =	sst s1;
	(tag) =	ssettag s2;
	_ =	strace s9  }
0x27: {  	s1 =	sld [smem:$0x3FB0]  }
0x28: {  	s2 =	sld [smem:$0x3FB1]  }
0x29: {  	s4 =	sld [smem:$0x3FB3]  }
0x2a: {  	p0 =	seq.s32 s5, $0x0;
	s5 =	sld [smem:$0x3FB4]  }
0x2b: {  	s6 =	sld [smem:$0x3FB5]  }
0x2c: {  	s7 =	sld [smem:$0x3FB6]  }
0x2d: {  	s3 =	simm.s32 $0x108;
	s8 =	sld [smem:$0x3FB7]  }
0x2e: {  	s3 =	simm.s32 @!p0 $0x1082;
	s9 =	sld [smem:$0x3FB8]  }
0x2f: {  	lr =	sadd.s32 s0, s3;
	s0 =	sld [smem:$0x3FAF]  }
0x30: {  	s3 =	sld [smem:$0x3FB2]  }
0x31: {  	[smem:$0x3FBB] =	sst s10  }
0x32: {  	s10 =	sld [smem:$0x3FB9];
	_ =	sdelay $0x3  }
0x33: {  	p0 =	seq.s32 s10, $0x1;
	s10 =	sld [smem:$0x3FBB];
	_ =	sdelay $0x3  }
0x34: {  	[smem:$0x3FBB] =	sst s10  }
0x35: {  	s10 =	sld [smem:$0x3FBA];
	_ =	sdelay $0x3  }
0x36: {  	p1 =	seq.s32 s10, $0x1;
	s10 =	sld [smem:$0x3FBB];
	_ =	sdelay $0x3  }
0x37: {  	[smem:$0x3FBB] =	sst s10  }
0x38: {  	s10 =	sld [smem:$0x3FBC]  }
0x39: {  	_ = 	snop;
	(pc) =	sbr.ind lr, $3  }
0x3a: {  	_ = 	snop  }
0x3b: {  	_ = 	snop  }
0x3c: {  	p2 =	seq.s32 s10, $0x1;
	s10 =	sld [smem:$0x3FBB]  }
0x3d: {  	_ =	shalt  }
0x3e: {  	_ =	shalt  }
0x3f: {  	_ =	shalt  }
0x40: {  	_ =	shalt  }
0x41: {  	_ =	shalt  }
0x42: {  	_ =	shalt  }
0x43: {  	_ =	shalt  }
0x44: {  	_ =	shalt  }
0x45: {  	_ =	shalt  }
0x46: {  	_ =	shalt  }
0x47: {  	_ =	shalt  }
0x48: {  	_ =	shalt  }
0x49: {  	_ =	shalt  }
0x4a: {  	_ =	shalt  }
0x4b: {  	_ =	shalt  }
0x4c: {  	_ =	shalt  }
0x4d: {  	_ =	shalt  }
0x4e: {  	_ =	shalt  }
0x4f: {  	_ =	shalt  }
0x50: {  	_ =	shalt  }
0x51: {  	_ =	shalt  }
0x52: {  	_ =	shalt  }
0x53: {  	_ =	shalt  }
0x54: {  	_ =	shalt  }
0x55: {  	_ =	shalt  }
0x56: {  	_ =	shalt  }
0x57: {  	_ =	shalt  }
0x58: {  	_ =	shalt  }
0x59: {  	_ =	shalt  }
0x5a: {  	_ =	shalt  }
0x5b: {  	_ =	shalt  }
0x5c: {  	_ =	shalt  }
0x5d: {  	_ =	shalt  }
0x5e: {  	_ =	shalt  }
0x5f: {  	_ =	shalt  }
0x60: {  	_ =	shalt  }
0x61: {  	_ =	shalt  }
0x62: {  	_ =	shalt  }
0x63: {  	_ =	shalt  }
0x64: {  	_ =	shalt  }
0x65: {  	_ =	shalt  }
0x66: {  	_ =	shalt  }
0x67: {  	_ =	shalt  }
0x68: {  	_ =	shalt  }
0x69: {  	_ =	shalt  }
0x6a: {  	_ =	shalt  }
0x6b: {  	_ =	shalt  }
0x6c: {  	_ =	shalt  }
0x6d: {  	_ =	shalt  }
0x6e: {  	_ =	shalt  }
0x6f: {  	_ =	shalt  }
0x70: {  	_ =	shalt  }
0x71: {  	_ =	shalt  }
0x72: {  	_ =	shalt  }
0x73: {  	_ =	shalt  }
0x74: {  	_ =	shalt  }
0x75: {  	_ =	shalt  }
0x76: {  	_ =	shalt  }
0x77: {  	_ =	shalt  }
0x78: {  	_ =	shalt  }
0x79: {  	_ =	shalt  }
0x7a: {  	_ =	shalt  }
0x7b: {  	_ =	shalt  }
0x7c: {  	_ =	shalt  }
0x7d: {  	_ =	shalt  }
0x7e: {  	_ =	shalt  }
0x7f: {  	_ =	shalt  }
0x80: {  	_ =	shalt  }
0x81: {  	_ =	shalt  }
0x82: {  	_ =	shalt  }
0x83: {  	_ =	shalt  }
0x84: {  	_ =	shalt  }
0x85: {  	_ =	shalt  }
0x86: {  	_ =	shalt  }
0x87: {  	_ =	shalt  }
.Lfunc_end0:
.L_simem_size_0:
called_computation_lowered:
.L_overlay_start_0:
0x88: {  	s2 =	sld [smem:$0x3FD9]  }
0x89: {  	s3 =	sld [smem:$0x3FFE];
	_ =	sdelay $0x1  }
0x8a: {  	s1 =	srdreg.scid  }
0x8b: {  	s0 =	sand.u32 $0x1, s1  }
0x8c: {  	s18 =	sshll.u32 s0, $0xA;
	s2 =	sadd.s32 s3, s2  }
0x8d: {  	s2 =	sadd.s32 s2, s18  }
0x8e: {  	[smem:$0x3FC7] =	sst s2  }
0x8f: {  	_ = 	snop  }
0x90: {  	s2 =	sld [smem:$0x3FC9]  }
0x91: {  	s19 =	sld [smem:$0x3FD0];
	(tm) =	ssettm $0x1  }
0x92: {  	s4 =	sld [smem:$0x3FFB];
	_ =	sdelay $0x3  }
0x93: {  	_ =	strace s4  }
0x94: {  	s4 =	sld [smem:$0x3FFC];
	_ =	sdelay $0x3  }
0x95: {  	_ =	strace s4  }
0x96: {  	s4 =	sld [smem:$0x3FFD];
	_ =	sdelay $0x3  }
0x97: {  	_ =	strace s4  }
0x98: {  	_ =	strace $0x8FFFFFFF  }
0x99: {  	s20 =	sld [smem:$0x3FDB];
	_ =	sdelay $0x1  }
0x9a: {  	s5 =	simm.s32 $_scs_section_size  }
0x9b: {  	s6 =	simm.s32 $_size__tile_overlayer_lowered;
	s7 =	simm.s32 $_tile_overlayer_lowered  }
0x9c: {  	s23 =	simm.s32 $0x1BFF;
	s22 =	sshll.u32 s7, $0x1;
	s4 =	sadd.s32 s5, s20  }
0x9d: {  	s8 =	simm.s32 $0x0;
	s21 =	sshll.u32 s6, $0x1;
	s6 =	sadd.s32 s22, s4  }
0x9e: {  	[timem:s8], [sflag:s23] =	dma.local [hbm:s6], s21  }
0x9f: {  	_ =	swait.ge [sflag:s23], s21  }
0xa0: {  	s5 =	ssub.s32 $0x0, s21;
	[sflag:s23] =	ssyncset.done $0x0  }
0xa1: {  	[sflag:s23] =	ssyncadd.s32 s5;
	_ =	sdelay $0x1  }
0xa2: {  	s24 =	simm.s32 $0x1B8B  }
0xa3: {  	_ =	swait.ge [sflag:s24], $0x1  }
0xa4: {  	[sflag:s24] =	ssyncset.done $0x0  }
0xa5: {  	s25 =	simm.s32 $0x1B8E;
	[sflag:s24] =	ssyncadd.s32 $0xFFFFFFFF  }
0xa6: {  	s26 =	simm.s32 $execute0_lowered;
	[smem:$0x3FD2] =	sst s25  }
0xa7: {  	s5 =	sshll.u32 s26, $0x1;
	_ =	strace $0x80000046;
	[dreg:$0x1] =	wrdreg $0xFFFFFFFF  }
0xa8: {  	s28 =	simm.s32 $_size_execute0_lowered;
	s4 =	sadd.s32 s4, s5;
	[dreg:$0x0] =	wrdreg $0x0  }
0xa9: {  	s5 =	sshll.u32 s28, $0x1;
	[dreg:$0x2] =	wrdreg s4  }
0xaa: {  	[dreg:$0x3] =	wrdreg s5  }
0xab: {  	[dreg:$0x4] =	wrdreg $0xC0  }
0xac: {  	_ =	task [dreg:s8], $0x5FFFF  }
0xad: {  	[dreg:$0x1] =	wrdreg $0xFFFFFFFF  }
0xae: {  	[dreg:$0x0] =	wrdreg $0x60  }
0xaf: {  	[dreg:$0x2] =	wrdreg s2  }
0xb0: {  	[dreg:$0x3] =	wrdreg s19  }
0xb1: {  	[dreg:$0x4] =	wrdreg $0x9  }
0xb2: {  	_ =	task.clear_ibuf [dreg:s8], $0x5FFFF;
	_ =	strace $0x90000046  }
0xb3: {  	s29 =	simm.s32 $0x9;
	_ =	strace $0x8000004C  }
0xb4: {  	_ =	swait.ge [sflag:s29], $0x1  }
0xb5: {  	[sflag:s29] =	ssyncadd.s32 $0xFFFFFFFF  }
0xb6: {  	_ =	strace $0x9000004C  }
0xb7: {  	_ =	sfence  }
0xb8: {  	s30 =	sld [smem:$0x0];
	_ =	sdelay $0x2  }
0xb9: {  	s31 =	sshll.u32 s1, $0xD;
	s1 =	sshrl.u32 s1, $0x2  }
0xba: {  	s3 =	sand.u32 $0x4000, s31;
	s1 =	sadd.s32 s1, s30  }
0xbb: {  	s0 =	sor.u32 s3, s0;
	s1 =	sshll.u32 s1, $0x11  }
0xbc: {  	s0 =	sor.u32 s1, s0  }
0xbd: {  	s0 =	sadd.s32 $0x8F2B, s0  }
0xbe: {  	[sflag:s0] =	ssyncadd.remote.s32 $0x1  }
0xbf: {  	_ =	sfence.sel $0xFFFF  }
0xc0: {  	[dreg:$0x0] =	wrdreg $0xFFFFFFFF;
	(pc) =	sbr.abs _section_cstart, $3  }
0xc1: {  	[dreg:$0x1] =	wrdreg $0xFFFFFFFF  }
0xc2: {  	_ =	task.clear_ibuf [dreg:s8], $0x2FFFF;
	_ =	strace $0x9FFFFFFF  }
0xc3: {  	(tm) =	ssettm $0x7FFFFFFF  }
tec
execute0_lowered:
.L_overlay_start_1:
0x0: {  	(tag) =	ssettag $0x1  }
0x1: {  	s1 =	rddreg [dreg:$0x0]  }
0x2: {  	s6 =	rddreg [dreg:$0x1]  }
0x3: {  	s2 =	srdreg.scid;
	s0 =	rddreg [dreg:$0x2];
	s3 =	simm.s32 $0x0  }
0x4: {  	s10 =	simm.s32 $0x0;
	s4 =	sand.u32 $0x1, s2;
	s2 =	stileid.u32  }
0x5: {  	[smem:$0x7FF] =	sst s3;
	s5 =	sshll.u32 s4, $0x4;
	s4 =	ssub.s32 $0x2, s4  }
0x6: {  	_ =	strace $0x80000047;
	s5 =	sor.u32 s2, s5;
	s7 =	sshrl.u32 s4, $0x1  }
0x7: {  	s8 =	smul.u32 $0x18000, s5;
	s7 =	ssub.s32 s4, s7;
	s9 =	sshll.u32 s5, $0xC  }
0x8: {  	v0 =	vimm.s32 $0x0;
	v2 =	vlaneseq.u32;
	s4 =	smul.u32 $0x18, s5;
	s6 =	sadd.s32 s6, s9;
	s7 =	smax.u32 s7, $0x1  }
0x9: {  	v1 =	vimm.s32 $0x1;
	vm0 =	vmmov $0x1;
	v2 =	vor.u32 $0x8000, v2;
	s9 =	simm.s32 $0x1;
	s5 =	sadd.s32 s1, s8;
	s8 =	simm.s32 $0x8400  }
.LBB2_1:
0xa: {  	s11 =	simm.s32 $0x70;
	s12 =	simm.s32 $0x3C0  }
.LBB2_2:
0xb: {  	p0 =	sne.s32 s12, $0x201C0;
	[tilespmem:s11+$0x0] =	vst v0  }
0xc: {  	[tilespmem:s11+$0xFFFFFF90] =	vst v0  }
0xd: {  	[tilespmem:s11+$0xFFFFFFA0] =	vst v0  }
.Ltmp0:
0xe: {  	[tilespmem:s11+$0xFFFFFFB0] =	vst v0;
	(pc) =	sbr.rel @p0 .LBB2_2-.Ltmp0, $4  }
0xf: {  	[tilespmem:s11+$0xFFFFFFC0] =	vst v0  }
0x10: {  	[tilespmem:s11+$0xFFFFFFD0] =	vst v0  }
0x11: {  	[tilespmem:s11+$0xFFFFFFE0] =	vst v0  }
0x12: {  	[tilespmem:s11+$0xFFFFFFF0] =	vst v0;
	s11 =	sshra.s32 s12, $0x2;
	s12 =	sadd.s32 $0x200, s12  }
0x13: {  	[tilespmem:s11+$0x0] =	vst v0  }
0x14: {  	[tilespmem:s11+$0xFFFFFF90] =	vst v0  }
0x15: {  	[tilespmem:s11+$0xFFFFFFA0] =	vst v0  }
0x16: {  	[tilespmem:s11+$0xFFFFFFB0] =	vst v0  }
0x17: {  	[tilespmem:s11+$0xFFFFFFC0] =	vst v0  }
0x18: {  	[tilespmem:s11+$0xFFFFFFD0] =	vst v0  }
0x19: {  	[tilespmem:s11+$0xFFFFFFE0] =	vst v0  }
0x1a: {  	[tilespmem:s11+$0xFFFFFFF0] =	vst v0  }
0x1b: {  	s11 =	simm.s32 $0x0;
	s12 =	simm.s32 $0x1;
	_ =	strace $0x80000048  }
0x1c: {  	[tilespmem:s8], [sflag:$0x1] =	stream.linear.gather [hbm4b:s5+s11], $0x8000, $0x200038;
	[tilespmem:$0x18400] =	vst v63  }
0x1d: {  	s13 =	simm.s32 $0x0;
	s14 =	simm.s32 $0x0;
	_ =	strace $0x90000048  }
.LBB2_4:
0x1e: {  	s15 =	smov.u32 s11;
	s11 =	sadd.s32 $0x1, s11  }
0x1f: {  	p0 =	seq.s32 s11, $0x18  }
0x20: {  	s11 =	simm.s32 @p0 $0x0  }
0x21: {  	p6 =	sne.s32 s14, $0x17;
	p1 =	sne.s32 s15, s11  }
0x22: {  	p0 =	por !p6, !p1  }
0x23: {  	p0 =	por !p0, !p0  }
0x24: {  	s16 =	sadd.s32 @p0 s4, s11  }
0x25: {  	s15 =	sand.u32 @p0 $0x1, s12;
	_ =	strace @p0 $0x80000049;
	s16 =	sshll.u32 @p0 s16, $0xC  }
0x26: {  	s18 =	simm.s32 @p0 $0x0;
	s17 =	sshll.u32 @p0 s15, $0xF;
	s16 =	sand.u32 @p0 $0x1FFFF000, s16  }
0x27: {  	s15 =	sadd.s32 @p0 $0x1, s15;
	s17 =	sadd.s32 @p0 $0x8400, s17;
	s16 =	sadd.s32 @p0 s1, s16  }
0x28: {  	[tilespmem:s17], [sflag:s15] =	stream.linear.gather @p0 [hbm4b:s16+s18], $0x8000, $0x200038;
	[tilespmem:$0x18400] =	vst v63  }
0x29: {  	s30 =	sand.u32 $0x1, s13;
	_ =	strace @p0 $0x90000049  }
0x2a: {  	s31 =	sadd.s32 $0x1, s30;
	_ =	strace $0x8000004A  }
0x2b: {  	_ =	swait.ge [sflag:s31], $0x8000  }
0x2c: {  	[sflag:s31] =	ssyncset.done $0x0  }
0x2d: {  	[sflag:s31] =	ssyncadd.s32 $0xFFFF8000  }
0x2e: {  	s15 =	sshll.u32 s30, $0xF;
	_ =	strace $0x9000004A  }
0x2f: {  	s16 =	simm.s32 $0x0;
	s15 =	sadd.s32 $0x8440, s15;
	_ =	strace $0x8000004B  }
.LBB2_5:
0x30: {  	v3 =	vld [tilespmem:s15+$0x30]  }
0x31: {  	v4 =	vld [tilespmem:s15+$0xFFFFFFD0]  }
0x32: {  	v5 =	vld [tilespmem:s15+$0xFFFFFFE0]  }
0x33: {  	v6 =	vld [tilespmem:s15+$0xFFFFFFF0]  }
0x34: {  	v7 =	vld [tilespmem:s15+$0x0]  }
0x35: {  	v8 =	vshrl.u32 v3, $0x10;
	vm1 =	vlt.s32 v3, $0x1  }
0x36: {  	v3 =	vshrl.u32 v4, $0x10;
	vm2 =	vlt.s32 v4, $0x1;
	v4 =	vsel vm1, v2, v8  }
0x37: {  	v63 =	vld [tilespmem:s15+$0x10];
	v9 =	vshrl.u32 v5, $0x10;
	v3 =	vsel vm2, v2, v3;
	vm1 =	vlt.s32 v5, $0x1  }
0x38: {  	v10 =	vshrl.u32 v6, $0x10;
	v5 =	vld [tilespmem:s15+$0x20];
	v9 =	vsel vm1, v2, v9;
	vm1 =	vlt.s32 v6, $0x1  }
0x39: {  	v11 =	vshrl.u32 v7, $0x10;
	v6 =	vld [tilespmem:s15+$0xFFFFFFC0];
	v10 =	vsel vm1, v2, v10;
	vm1 =	vlt.s32 v7, $0x1  }
0x3a: {  	v7 =	vsel vm1, v2, v11  }
0x3b: {  	[tilespmem:v4+s3+$0x0] =	vst.idx.add.s32.msk $0xffff, v1  }
0x3c: {  	vm1 =	vlt.s32 v63, $0x1;
	v4 =	vshrl.u32 v63, $0x10;
	[tilespmem:v3+s3+$0x0] =	vst.idx.add.s32.msk $0xffff, v1  }
0x3d: {  	v3 =	vsel vm1, v2, v4;
	v4 =	vshrl.u32 v5, $0x10;
	[tilespmem:v9+s3+$0x0] =	vst.idx.add.s32.msk $0xffff, v1  }
0x3e: {  	vm1 =	vlt.s32 v5, $0x1;
	v5 =	vshrl.u32 v6, $0x10;
	vm2 =	vlt.s32 v6, $0x1;
	[tilespmem:v10+s3+$0x0] =	vst.idx.add.s32.msk $0xffff, v1  }
0x3f: {  	s17 =	simm.s32 $0x0;
	s18 =	sadd.s32 $0x400, s15;
	v4 =	vsel vm1, v2, v4;
	v5 =	vsel vm2, v2, v5;
	[tilespmem:v7+s3+$0x0] =	vst.idx.add.s32.msk $0xffff, v1  }
.LBB2_6:
0x40: {  	v6 =	vld [tilespmem:s18+$0x30];
	s17 =	sadd.s32 $0x8, s17  }
0x41: {  	v7 =	vld [tilespmem:s18+$0xFFFFFFD0];
	p2 =	slt.u32 s17, $0xF8  }
0x42: {  	v8 =	vld [tilespmem:s18+$0xFFFFFFE0]  }
0x43: {  	v9 =	vld [tilespmem:s18+$0xFFFFFFF0]  }
0x44: {  	v10 =	vld [tilespmem:s18+$0x0]  }
0x45: {  	v11 =	vld [tilespmem:s18+$0x10];
	v12 =	vshrl.u32 v6, $0x10;
	vm1 =	vlt.s32 v6, $0x1  }
0x46: {  	v6 =	vshrl.u32 v7, $0x10;
	vm2 =	vlt.s32 v7, $0x1;
	v7 =	vld [tilespmem:s18+$0x20];
	v12 =	vsel vm1, v2, v12  }
0x47: {  	v13 =	vld [tilespmem:s18+$0xFFFFFFC0];
	v6 =	vsel vm2, v2, v6;
	v14 =	vshrl.u32 v8, $0x10;
	vm1 =	vlt.s32 v8, $0x1  }
0x48: {  	v8 =	vsel vm1, v2, v14;
	v14 =	vshrl.u32 v9, $0x10;
	vm1 =	vlt.s32 v9, $0x1;
	[tilespmem:v5+s3+$0x0] =	vst.idx.add.s32.msk $0xffff, v1  }
0x49: {  	v9 =	vsel vm1, v2, v14;
	v5 =	vshrl.u32 v10, $0x10;
	vm1 =	vlt.s32 v10, $0x1;
	[tilespmem:v3+s3+$0x0] =	vst.idx.add.s32.msk $0xffff, v1  }
0x4a: {  	v10 =	vsel vm1, v2, v5;
	v3 =	vshrl.u32 v11, $0x10;
	vm1 =	vlt.s32 v11, $0x1;
	[tilespmem:v4+s3+$0x0] =	vst.idx.add.s32.msk $0xffff, v1  }
.Ltmp1:
0x4b: {  	v3 =	vsel vm1, v2, v3;
	v4 =	vshrl.u32 v7, $0x10;
	vm1 =	vlt.s32 v7, $0x1;
	[tilespmem:v12+s3+$0x0] =	vst.idx.add.s32.msk $0xffff, v1;
	(pc) =	sbr.rel @p2 .LBB2_6-.Ltmp1, $4  }
0x4c: {  	v5 =	vshrl.u32 v13, $0x10;
	vm2 =	vlt.s32 v13, $0x1;
	[tilespmem:v6+s3+$0x0] =	vst.idx.add.s32.msk $0xffff, v1;
	v4 =	vsel vm1, v2, v4  }
0x4d: {  	v5 =	vsel vm2, v2, v5;
	[tilespmem:v8+s3+$0x0] =	vst.idx.add.s32.msk $0xffff, v1  }
0x4e: {  	[tilespmem:v9+s3+$0x0] =	vst.idx.add.s32.msk $0xffff, v1  }
0x4f: {  	s18 =	sadd.s32 $0x400, s18;
	[tilespmem:v10+s3+$0x0] =	vst.idx.add.s32.msk $0xffff, v1  }
0x50: {  	s16 =	sadd.s32 $0x1, s16  }
0x51: {  	p2 =	sne.s32 s16, $0x8  }
.Ltmp2:
0x52: {  	_ = 	snop;
	(pc) =	sbr.rel @p2 .LBB2_5-.Ltmp2, $4  }
0x53: {  	_ = 	snop  }
0x54: {  	[tilespmem:v5+s3+$0x0] =	vst.idx.add.s32.msk $0xffff, v1  }
0x55: {  	[tilespmem:v3+s3+$0x0] =	vst.idx.add.s32.msk $0xffff, v1  }
0x56: {  	[tilespmem:v4+s3+$0x0] =	vst.idx.add.s32.msk $0xffff, v1;
	s15 =	sadd.s32 $0x80, s15  }
0x57: {  	p2 =	seq.s32 s14, $0x17;
	s15 =	simm.s32 $0x1;
	s14 =	sadd.s32 $0x1, s14  }
0x58: {  	s15 =	simm.s32 @!p0 $0x0;
	p0 =	sne.s32 s14, $0x18  }
.Ltmp3:
0x59: {  	_ = 	snop;
	(pc) =	sbr.rel @p0 .LBB2_4-.Ltmp3, $4  }
0x5a: {  	_ = 	snop  }
0x5b: {  	s16 =	simm.s32 $0x1;
	p1 =	por p2, p1  }
0x5c: {  	s16 =	simm.s32 @!p1 $0x0  }
0x5d: {  	_ =	strace $0x9000004B;
	s12 =	sadd.s32 s15, s12;
	s13 =	sadd.s32 s16, s13  }
0x5e: {  	v3 =	vld [tilespmem:$0x8000];
	_ =	sdelay $0x4  }
0x5f: {  	(xrf0) =	vadd.scan.msk.s32 $0xffff, v3;
	_ =	sdelay $0x4  }
0x60: {  	v3 =	vld [tilespmem:$0x0]  }
0x61: {  	v4, _, _ =	vpop (xrf0)  }
0x62: {  	v4 =	vbroadcast v4, $0xF;
	_ =	sdelay $0x1  }
0x63: {  	s10 =	sadd.s32 $0x1, s10;
	v4 =	vnsel vm0, $0x0, v4  }
0x64: {  	p0 =	sne.s32 s10, s7;
	v3 =	vadd.s32 v3, v4  }
.Ltmp4:
0x65: {  	[tilespmem:$0x0] =	vst v3;
	(pc) =	sbr.rel @p0 .LBB2_1-.Ltmp4, $4  }
0x66: {  	[hbm4b:s6+s3] =	stream.linear.scatter [tilespmem:s3], [sflag:$0x1], $0x8000, $0x38;
	[tilespmem:$0x18400] =	vst v63  }
0x67: {  	_ =	swait.ge [sflag:s9], $0x8000  }
0x68: {  	[sflag:s9] =	ssyncset.done $0x0  }
0x69: {  	[sflag:s9] =	ssyncadd.s32 $0xFFFF8000  }
0x6a: {  	_ =	sfence.sel $0x180000  }
0x6b: {  	[bflag:$0x0] =	sbarrier.arrive $0xFFFF  }
0x6c: {  	p0 =	sne.s32 s2, $0x0;
	_ =	strace $0x90000047  }
0x6d: {  	s0 =	sadd.s32 @!p0 $0x100000, s0;
	[bflag:$0x2] =	sbarrier.arrive $0xFFFF  }
0x6e: {  	[sflag:s0] =	ssyncadd.tile.s32 @!p0 $0x1;
	_ =	shalt  }
.Lfunc_end2:
_tile_overlayer_lowered:
.L_overlay_start_2:
0x6f: {  	(tag) =	ssettag $0x2  }
0x70: {  	s0 =	rddreg [dreg:$0x0];
	s2 =	stileid.u32  }
0x71: {  	s1 =	rddreg [dreg:$0x1];
	p0 =	sne.s32 s2, $0x0  }
0x72: {  	s3 =	rddreg [dreg:$0x2];
	[bflag:$0x3] =	sbarrier.arrive $0xFFFF;
	s2 =	simm.s32 @!p0 $0x1C01  }
0x73: {  	[timem:s3], [sflag:s2] =	dma.local @!p0 [hbm:s0], s1  }
0x74: {  	s0 =	simm.s32 @!p0 $0x1  }
0x75: {  	_ =	swait.ge @!p0 [sflag:s0], s1  }
0x76: {  	s1 =	ssub.s32 @!p0 $0x0, s1;
	[sflag:s0] =	ssyncset.done @!p0 $0x0  }
0x77: {  	[sflag:s0] =	ssyncadd.s32 @!p0 s1  }
0x78: {  	[bflag:$0x3] =	sbarrier.arrive $0xFFFF  }
0x79: {  	_ =	shalt  }

// kernel: kernel.9.cloned.1.call-start
scs
__scs_entry_jumppad:
0x0: {  	(pc) =	sbr.rel $0x88, $3  }
0x1: {  	(tag) =	ssettag $0x0;
	lr =	simm.s32 $0x1  }
0x2: {  	[smem:$0x3FA0] =	sst lr;
	_ =	strace $0xD0000000  }
0x3: {  	_ = 	snop  }
0x4: {  	_ = 	snop  }
0x5: {  	_ = 	snop  }
0x6: {  	_ = 	snop  }
0x7: {  	_ = 	snop  }
__scs_overlays_trampoline_lowered:
0x8: {  	[smem:$0x3FAF] =	sst s0  }
0x9: {  	[smem:$0x3FB0] =	sst s1  }
0xa: {  	[smem:$0x3FB1] =	sst s2  }
0xb: {  	[smem:$0x3FB2] =	sst s3  }
0xc: {  	[smem:$0x3FB3] =	sst s4  }
0xd: {  	[smem:$0x3FB4] =	sst s5  }
0xe: {  	[smem:$0x3FB5] =	sst s6  }
0xf: {  	[smem:$0x3FB6] =	sst s7  }
0x10: {  	[smem:$0x3FB7] =	sst s8  }
0x11: {  	[smem:$0x3FB8] =	sst s9;
	s0 =	simm.s32 @!p0 $0x0  }
0x12: {  	s1 =	sld [smem:$0x3F9E];
	s0 =	simm.s32 @p0 $0x1  }
0x13: {  	[smem:$0x3FB9] =	sst s0;
	s0 =	simm.s32 @!p1 $0x0  }
0x14: {  	s2 =	sld [smem:$0x3F9D];
	s0 =	simm.s32 @p1 $0x1  }
0x15: {  	[smem:$0x3FBA] =	sst s0;
	s0 =	simm.s32 @!p2 $0x0  }
0x16: {  	s3 =	sld [smem:$0x3FDB];
	s0 =	simm.s32 @p2 $0x1  }
0x17: {  	s4 =	simm.s32 $0x1BF5;
	[smem:$0x3FBC] =	sst s0  }
0x18: {  	s0 =	sld [smem:$0x3F9F];
	_ =	swait.ge [sflag:s4], $0x0  }
0x19: {  	s7 =	sld [smem:$0x3FA0]  }
0x1a: {  	s8 =	sadd.s32 $0xFFFFE003, lr  }
0x1b: {  	s9 =	sadd.s32 $0xFFFFFEF7, lr;
	s5 =	simm.s32 $0xFFFFFFFF;
	p2 =	slt.u32 s8, $0xFFFFF086  }
0x1c: {  	p1 =	slt.u32 s9, $0xF7A;
	s5 =	simm.s32 @!p2 $0x0  }
0x1d: {  	s5 =	simm.s32 @p1 $0x1;
	p0 =	seq.s32 s7, s2  }
0x1e: {  	s7 =	smul.u32 @!p0 $0xF7A, s2;
	p2 =	seq.s32 @!p0 s5, $0x0  }
0x1f: {  	s9 =	smul.u32 $0xF7A, s1;
	s8 =	simm.s32 @!p0 $0x1BF5;
	p2 =	por !p2, p0  }
0x20: {  	[sflag:s8] =	ssyncset.s32 @!p0 $0xFFFFF086;
	s6 =	sadd.s32 @!p0 s3, s7;
	s7 =	simm.s32 @!p0 $0x108  }
0x21: {  	s3 =	sadd.s32 s3, s9;
	s6 =	sadd.s32 @!p0 $0x88, s6;
	s7 =	simm.s32 @p2 $0x1082  }
0x22: {  	[simem:s7], [sflag:s8] =	dma.local @!p0 [hbm:s6], $0xF7A  }
0x23: {  	s9 =	sor.u32 $0xD0000000, s2;
	s6 =	simm.s32 $0x108;
	_ =	swait.ge @!p0 [sflag:s8], $0x0  }
0x24: {  	s3 =	sadd.s32 $0x88, s3;
	s6 =	simm.s32 @!p1 $0x1082;
	[sflag:s4] =	ssyncset.s32 $0xFFFFF086  }
0x25: {  	[simem:s6], [sflag:s4] =	dma.local [hbm:s3], $0xF7A  }
0x26: {  	[smem:$0x3FA0] =	sst s1;
	(tag) =	ssettag s2;
	_ =	strace s9  }
0x27: {  	s1 =	sld [smem:$0x3FB0]  }
0x28: {  	s2 =	sld [smem:$0x3FB1]  }
0x29: {  	s4 =	sld [smem:$0x3FB3]  }
0x2a: {  	p0 =	seq.s32 s5, $0x0;
	s5 =	sld [smem:$0x3FB4]  }
0x2b: {  	s6 =	sld [smem:$0x3FB5]  }
0x2c: {  	s7 =	sld [smem:$0x3FB6]  }
0x2d: {  	s3 =	simm.s32 $0x108;
	s8 =	sld [smem:$0x3FB7]  }
0x2e: {  	s3 =	simm.s32 @!p0 $0x1082;
	s9 =	sld [smem:$0x3FB8]  }
0x2f: {  	lr =	sadd.s32 s0, s3;
	s0 =	sld [smem:$0x3FAF]  }
0x30: {  	s3 =	sld [smem:$0x3FB2]  }
0x31: {  	[smem:$0x3FBB] =	sst s10  }
0x32: {  	s10 =	sld [smem:$0x3FB9];
	_ =	sdelay $0x3  }
0x33: {  	p0 =	seq.s32 s10, $0x1;
	s10 =	sld [smem:$0x3FBB];
	_ =	sdelay $0x3  }
0x34: {  	[smem:$0x3FBB] =	sst s10  }
0x35: {  	s10 =	sld [smem:$0x3FBA];
	_ =	sdelay $0x3  }
0x36: {  	p1 =	seq.s32 s10, $0x1;
	s10 =	sld [smem:$0x3FBB];
	_ =	sdelay $0x3  }
0x37: {  	[smem:$0x3FBB] =	sst s10  }
0x38: {  	s10 =	sld [smem:$0x3FBC]  }
0x39: {  	_ = 	snop;
	(pc) =	sbr.ind lr, $3  }
0x3a: {  	_ = 	snop  }
0x3b: {  	_ = 	snop  }
0x3c: {  	p2 =	seq.s32 s10, $0x1;
	s10 =	sld [smem:$0x3FBB]  }
0x3d: {  	_ =	shalt  }
0x3e: {  	_ =	shalt  }
0x3f: {  	_ =	shalt  }
0x40: {  	_ =	shalt  }
0x41: {  	_ =	shalt  }
0x42: {  	_ =	shalt  }
0x43: {  	_ =	shalt  }
0x44: {  	_ =	shalt  }
0x45: {  	_ =	shalt  }
0x46: {  	_ =	shalt  }
0x47: {  	_ =	shalt  }
0x48: {  	_ =	shalt  }
0x49: {  	_ =	shalt  }
0x4a: {  	_ =	shalt  }
0x4b: {  	_ =	shalt  }
0x4c: {  	_ =	shalt  }
0x4d: {  	_ =	shalt  }
0x4e: {  	_ =	shalt  }
0x4f: {  	_ =	shalt  }
0x50: {  	_ =	shalt  }
0x51: {  	_ =	shalt  }
0x52: {  	_ =	shalt  }
0x53: {  	_ =	shalt  }
0x54: {  	_ =	shalt  }
0x55: {  	_ =	shalt  }
0x56: {  	_ =	shalt  }
0x57: {  	_ =	shalt  }
0x58: {  	_ =	shalt  }
0x59: {  	_ =	shalt  }
0x5a: {  	_ =	shalt  }
0x5b: {  	_ =	shalt  }
0x5c: {  	_ =	shalt  }
0x5d: {  	_ =	shalt  }
0x5e: {  	_ =	shalt  }
0x5f: {  	_ =	shalt  }
0x60: {  	_ =	shalt  }
0x61: {  	_ =	shalt  }
0x62: {  	_ =	shalt  }
0x63: {  	_ =	shalt  }
0x64: {  	_ =	shalt  }
0x65: {  	_ =	shalt  }
0x66: {  	_ =	shalt  }
0x67: {  	_ =	shalt  }
0x68: {  	_ =	shalt  }
0x69: {  	_ =	shalt  }
0x6a: {  	_ =	shalt  }
0x6b: {  	_ =	shalt  }
0x6c: {  	_ =	shalt  }
0x6d: {  	_ =	shalt  }
0x6e: {  	_ =	shalt  }
0x6f: {  	_ =	shalt  }
0x70: {  	_ =	shalt  }
0x71: {  	_ =	shalt  }
0x72: {  	_ =	shalt  }
0x73: {  	_ =	shalt  }
0x74: {  	_ =	shalt  }
0x75: {  	_ =	shalt  }
0x76: {  	_ =	shalt  }
0x77: {  	_ =	shalt  }
0x78: {  	_ =	shalt  }
0x79: {  	_ =	shalt  }
0x7a: {  	_ =	shalt  }
0x7b: {  	_ =	shalt  }
0x7c: {  	_ =	shalt  }
0x7d: {  	_ =	shalt  }
0x7e: {  	_ =	shalt  }
0x7f: {  	_ =	shalt  }
0x80: {  	_ =	shalt  }
0x81: {  	_ =	shalt  }
0x82: {  	_ =	shalt  }
0x83: {  	_ =	shalt  }
0x84: {  	_ =	shalt  }
0x85: {  	_ =	shalt  }
0x86: {  	_ =	shalt  }
0x87: {  	_ =	shalt  }
.Lfunc_end0:
.L_simem_size_0:
called_computation.1_lowered:
.L_overlay_start_0:
0x88: {  	s2 =	sld [smem:$0x3FD9]  }
0x89: {  	s3 =	sld [smem:$0x3FFE];
	_ =	sdelay $0x1  }
0x8a: {  	s1 =	srdreg.scid  }
0x8b: {  	s0 =	sand.u32 $0x1, s1  }
0x8c: {  	s17 =	sshll.u32 s0, $0xA;
	s2 =	sadd.s32 s3, s2  }
0x8d: {  	s2 =	sadd.s32 s2, s17  }
0x8e: {  	[smem:$0x3FC7] =	sst s2  }
0x8f: {  	_ = 	snop  }
0x90: {  	s2 =	sld [smem:$0x3FC9]  }
0x91: {  	s18 =	sld [smem:$0x3FD0];
	(tm) =	ssettm $0x1  }
0x92: {  	s4 =	sld [smem:$0x3FFB];
	_ =	sdelay $0x3  }
0x93: {  	_ =	strace s4  }
0x94: {  	s4 =	sld [smem:$0x3FFC];
	_ =	sdelay $0x3  }
0x95: {  	_ =	strace s4  }
0x96: {  	s4 =	sld [smem:$0x3FFD];
	_ =	sdelay $0x3  }
0x97: {  	_ =	strace s4  }
0x98: {  	_ =	strace $0x8FFFFFFF  }
0x99: {  	s19 =	sld [smem:$0x3FDB];
	_ =	sdelay $0x1  }
0x9a: {  	s5 =	simm.s32 $_scs_section_size  }
0x9b: {  	s6 =	simm.s32 $_size__tile_overlayer_lowered;
	s7 =	simm.s32 $_tile_overlayer_lowered  }
0x9c: {  	s22 =	simm.s32 $0x1BFF;
	s21 =	sshll.u32 s7, $0x1;
	s4 =	sadd.s32 s5, s19  }
0x9d: {  	s8 =	simm.s32 $0x0;
	s20 =	sshll.u32 s6, $0x1;
	s6 =	sadd.s32 s21, s4  }
0x9e: {  	[timem:s8], [sflag:s22] =	dma.local [hbm:s6], s20  }
0x9f: {  	_ =	swait.ge [sflag:s22], s20  }
0xa0: {  	s5 =	ssub.s32 $0x0, s20;
	[sflag:s22] =	ssyncset.done $0x0  }
0xa1: {  	[sflag:s22] =	ssyncadd.s32 s5;
	_ =	sdelay $0x1  }
0xa2: {  	s23 =	simm.s32 $0x1B8B  }
0xa3: {  	_ =	swait.ge [sflag:s23], $0x1  }
0xa4: {  	[sflag:s23] =	ssyncset.done $0x0  }
0xa5: {  	s25 =	simm.s32 $0x1B8E;
	s24 =	sld [smem:$0x3FFE];
	[sflag:s23] =	ssyncadd.s32 $0xFFFFFFFF  }
0xa6: {  	s26 =	simm.s32 $execute0_lowered;
	[smem:$0x3FD2] =	sst s25  }
0xa7: {  	s6 =	sshll.u32 s26, $0x1;
	_ =	strace $0x8000004D;
	[dreg:$0x1] =	wrdreg $0xFFFFFFFF  }
0xa8: {  	s28 =	simm.s32 $_size_execute0_lowered;
	s4 =	sadd.s32 s4, s6;
	[dreg:$0x0] =	wrdreg $0x0  }
0xa9: {  	s6 =	sshll.u32 s28, $0x1;
	[dreg:$0x2] =	wrdreg s4  }
0xaa: {  	[dreg:$0x3] =	wrdreg s6  }
0xab: {  	[dreg:$0x4] =	wrdreg $0xC0  }
0xac: {  	_ =	task [dreg:s8], $0x5FFFF  }
0xad: {  	[dreg:$0x1] =	wrdreg $0xFFFFFFFF  }
0xae: {  	[dreg:$0x0] =	wrdreg $0x60  }
0xaf: {  	[dreg:$0x2] =	wrdreg s2  }
0xb0: {  	[dreg:$0x3] =	wrdreg s24  }
0xb1: {  	[dreg:$0x4] =	wrdreg s18  }
0xb2: {  	[dreg:$0x5] =	wrdreg $0x9  }
0xb3: {  	_ =	task.clear_ibuf [dreg:s8], $0x6FFFF;
	_ =	strace $0x9000004D  }
0xb4: {  	s29 =	simm.s32 $0x9;
	_ =	strace $0x80000053  }
0xb5: {  	_ =	swait.ge [sflag:s29], $0x1  }
0xb6: {  	[sflag:s29] =	ssyncadd.s32 $0xFFFFFFFF  }
0xb7: {  	_ =	strace $0x90000053  }
0xb8: {  	_ =	sfence  }
0xb9: {  	s30 =	sld [smem:$0x0];
	_ =	sdelay $0x2  }
0xba: {  	s31 =	sshll.u32 s1, $0xD;
	s1 =	sshrl.u32 s1, $0x2  }
0xbb: {  	s3 =	sand.u32 $0x4000, s31;
	s1 =	sadd.s32 s1, s30  }
0xbc: {  	s0 =	sor.u32 s3, s0;
	s1 =	sshll.u32 s1, $0x11  }
0xbd: {  	s0 =	sor.u32 s1, s0  }
0xbe: {  	s0 =	sadd.s32 $0x8F2B, s0  }
0xbf: {  	[sflag:s0] =	ssyncadd.remote.s32 $0x1  }
0xc0: {  	_ =	sfence.sel $0xFFFF  }
0xc1: {  	[dreg:$0x0] =	wrdreg $0xFFFFFFFF;
	(pc) =	sbr.abs _section_cstart, $3  }
0xc2: {  	[dreg:$0x1] =	wrdreg $0xFFFFFFFF  }
0xc3: {  	_ =	task.clear_ibuf [dreg:s8], $0x2FFFF;
	_ =	strace $0x9FFFFFFF  }
0xc4: {  	(tm) =	ssettm $0x7FFFFFFF  }
0xc5: {  	_ =	shalt  }
tec
execute0_lowered:
.L_overlay_start_1:
0x0: {  	(tag) =	ssettag $0x1  }
0x1: {  	s1 =	rddreg [dreg:$0x0]  }
0x2: {  	s4 =	rddreg [dreg:$0x1];
	s0 =	srdreg.scid  }
0x3: {  	s7 =	rddreg [dreg:$0x2];
	s2 =	stileid.u32  }
0x4: {  	s3 =	simm.s32 $0x0;
	s11 =	simm.s32 $0x1;
	s5 =	sand.u32 $0x1, s0  }
0x5: {  	s12 =	simm.s32 $0x0;
	s0 =	rddreg [dreg:$0x3];
	s6 =	sshll.u32 s5, $0x4  }
0x6: {  	[smem:$0x7FF] =	sst s3;
	s5 =	ssub.s32 $0x2, s5;
	s8 =	sor.u32 s2, s6  }
0x7: {  	s4 =	sadd.s32 $0x1000, s4;
	s31 =	sshrl.u32 s5, $0x1;
	s9 =	smul.u32 $0x18000, s8  }
0x8: {  	s10 =	ssub.s32 s5, s31;
	s5 =	smul.u32 $0x18, s8;
	s8 =	sshll.u32 s8, $0xD  }
0x9: {  	_ =	strace $0x8000004E;
	s7 =	sadd.s32 s7, s8;
	s8 =	smax.u32 s10, $0x1  }
0xa: {  	v0 =	vimm.s32 $0x0;
	v1 =	vimm.s32 $0x1;
	s10 =	simm.s32 $0x10080;
	s6 =	sadd.s32 s1, s9;
	s9 =	simm.s32 $0x10000  }
.LBB2_1:
0xb: {  	s13 =	simm.s32 $0x0;
	s14 =	simm.s32 $0x200  }
.LBB2_2:
0xc: {  	p0 =	sne.s32 s14, $0x3FE00;
	[tilespmem:s13+$0x70] =	vst v0  }
0xd: {  	[tilespmem:s13+$0x0] =	vst v0  }
0xe: {  	[tilespmem:s13+$0x10] =	vst v0  }
.Ltmp0:
0xf: {  	[tilespmem:s13+$0x20] =	vst v0;
	(pc) =	sbr.rel @p0 .LBB2_2-.Ltmp0, $4  }
0x10: {  	[tilespmem:s13+$0x30] =	vst v0  }
0x11: {  	[tilespmem:s13+$0x40] =	vst v0  }
0x12: {  	[tilespmem:s13+$0x50] =	vst v0  }
0x13: {  	[tilespmem:s13+$0x60] =	vst v0;
	s13 =	sshra.s32 s14, $0x2;
	s14 =	sadd.s32 $0x200, s14  }
0x14: {  	[tilespmem:s13+$0x70] =	vst v0  }
0x15: {  	[tilespmem:s13+$0x0] =	vst v0  }
0x16: {  	[tilespmem:s13+$0x10] =	vst v0  }
0x17: {  	[tilespmem:s13+$0x20] =	vst v0  }
0x18: {  	[tilespmem:s13+$0x30] =	vst v0  }
0x19: {  	[tilespmem:s13+$0x40] =	vst v0  }
0x1a: {  	[tilespmem:s13+$0x50] =	vst v0  }
0x1b: {  	[tilespmem:s13+$0x60] =	vst v0;
	s13 =	simm.s32 $0x0;
	s14 =	simm.s32 $0x1  }
0x1c: {  	[tilespmem:s9], [sflag:$0x1] =	stream.linear.gather [hbm4b:s4+s13], $0x10, $0x38;
	[tilespmem:$0x18080] =	vst v63  }
0x1d: {  	_ =	swait.ge [sflag:s14], $0x10  }
0x1e: {  	[sflag:s14] =	ssyncset.done $0x0  }
0x1f: {  	[sflag:s14] =	ssyncadd.s32 $0xFFFFFFF0  }
0x20: {  	s16 =	simm.s32 $0x0;
	v2 =	vld [tilespmem:$0x10000];
	_ =	strace $0x8000004F  }
0x21: {  	[tilespmem:s10], [sflag:$0x1] =	stream.linear.gather [hbm4b:s6+s13], $0x4000, $0x200038;
	[tilespmem:$0x18080] =	vst v63  }
0x22: {  	s15 =	simm.s32 $0x0;
	s17 =	simm.s32 $0x0;
	_ =	strace $0x9000004F  }
.LBB2_4:
0x23: {  	s18 =	smov.u32 s13;
	s13 =	sadd.s32 $0x1, s13  }
0x24: {  	s19 =	simm.s32 $0x1;
	p0 =	seq.s32 s13, $0x2  }
0x25: {  	s19 =	simm.s32 @!p0 $0x0  }
0x26: {  	s20 =	smov.u32 s16;
	s16 =	sadd.s32 s19, s16  }
0x27: {  	p1 =	seq.s32 s16, $0x18  }
0x28: {  	s13 =	simm.s32 @p0 $0x0;
	s16 =	simm.s32 @p1 $0x0  }
0x29: {  	p5 =	sne.s32 s18, s13;
	p4 =	sne.s32 s20, s16  }
0x2a: {  	p6 =	sne.s32 s17, $0x2F;
	p0 =	por p5, p4  }
0x2b: {  	p1 =	por !p6, !p0  }
0x2c: {  	p1 =	por !p1, !p1  }
0x2d: {  	s18 =	sadd.s32 @p1 s5, s16  }
0x2e: {  	s19 =	sshll.u32 @p1 s13, $0xE;
	s18 =	sshll.u32 @p1 s18, $0xF  }
0x2f: {  	s20 =	sand.u32 @p1 $0x1, s14;
	_ =	strace @p1 $0x80000050;
	s18 =	sadd.s32 @p1 s19, s18  }
0x30: {  	s21 =	simm.s32 @p1 $0x0;
	s19 =	sshll.u32 @p1 s20, $0xE;
	s18 =	sshrl.u32 @p1 s18, $0x3  }
0x31: {  	s20 =	sadd.s32 @p1 $0x1, s20;
	s19 =	sor.u32 @p1 $0x10080, s19;
	s18 =	sadd.s32 @p1 s1, s18  }
0x32: {  	[tilespmem:s19], [sflag:s20] =	stream.linear.gather @p1 [hbm4b:s18+s21], $0x4000, $0x200038;
	[tilespmem:$0x18080] =	vst v63  }
0x33: {  	s30 =	sand.u32 $0x1, s15;
	_ =	strace @p1 $0x90000050  }
0x34: {  	s31 =	sadd.s32 $0x1, s30;
	_ =	strace $0x80000051  }
0x35: {  	_ =	swait.ge [sflag:s31], $0x4000  }
0x36: {  	[sflag:s31] =	ssyncset.done $0x0  }
0x37: {  	[sflag:s31] =	ssyncadd.s32 $0xFFFFC000  }
0x38: {  	s18 =	sshll.u32 s30, $0xE;
	_ =	strace $0x90000051  }
0x39: {  	s19 =	simm.s32 $0x0;
	s18 =	sor.u32 $0x100C0, s18;
	_ =	strace $0x80000052  }
.LBB2_5:
0x3a: {  	v3 =	vld [tilespmem:s18+$0x30]  }
0x3b: {  	v4 =	vld [tilespmem:s18+$0xFFFFFFD0]  }
0x3c: {  	v5 =	vld [tilespmem:s18+$0xFFFFFFE0]  }
0x3d: {  	v6 =	vld [tilespmem:s18+$0xFFFFFFF0];
	_ =	sdelay $0x1  }
0x3e: {  	v7 =	vshra.s32 v3, $0x10  }
0x3f: {  	v8 =	vld [tilespmem:s18+$0x0];
	v9 =	vshra.s32 v4, $0x10;
	vm1 =	veq.s32 v7, v2  }
0x40: {  	v62 =	vshra.s32 v5, $0x10;
	v3 =	vand.u32 $0xFFFF, v3;
	v7 =	vld [tilespmem:s18+$0x10];
	vm2 =	veq.s32 v9, v2  }
0x41: {  	v63 =	vld [tilespmem:s18+$0xFFFFFFC0];
	v10 =	vand.u32 $0xFFFF, v4;
	v4 =	vshra.s32 v6, $0x10;
	vm3 =	veq.s32 v62, v2  }
0x42: {  	v11 =	vld [tilespmem:s18+$0x20];
	v5 =	vand.u32 $0xFFFF, v5;
	vm4 =	veq.s32 v4, v2  }
0x43: {  	v12 =	vand.u32 $0xFFFF, v6  }
0x44: {  	v4 =	vshra.s32 v8, $0x10  }
0x45: {  	vm0 =	veq.s32 v4, v2;
	v4 =	vshra.s32 v7, $0x10;
	[tilespmem:v3+s3+$0x0] =	vst.idx.add.s32.msk vm1, v1  }
0x46: {  	v6 =	vand.u32 $0xFFFF, v63;
	v3 =	vand.u32 $0xFFFF, v8;
	vm1 =	veq.s32 v4, v2;
	[tilespmem:v10+s3+$0x0] =	vst.idx.add.s32.msk vm2, v1  }
0x47: {  	v4 =	vand.u32 $0xFFFF, v7;
	v7 =	vshra.s32 v11, $0x10;
	v8 =	vshra.s32 v63, $0x10;
	[tilespmem:v5+s3+$0x0] =	vst.idx.add.s32.msk vm3, v1  }
0x48: {  	s20 =	simm.s32 $0x0;
	s21 =	sadd.s32 $0x400, s18;
	v5 =	vand.u32 $0xFFFF, v11;
	[tilespmem:v12+s3+$0x0] =	vst.idx.add.s32.msk vm4, v1;
	vm2 =	veq.s32 v7, v2;
	vm3 =	veq.s32 v8, v2  }
.LBB2_6:
0x49: {  	v7 =	vld [tilespmem:s21+$0x30];
	s20 =	sadd.s32 $0x8, s20  }
0x4a: {  	v8 =	vld [tilespmem:s21+$0xFFFFFFD0];
	p2 =	slt.u32 s20, $0x78  }
0x4b: {  	v9 =	vld [tilespmem:s21+$0xFFFFFFE0]  }
0x4c: {  	v10 =	vld [tilespmem:s21+$0xFFFFFFF0]  }
0x4d: {  	v11 =	vld [tilespmem:s21+$0x0]  }
0x4e: {  	v12 =	vld [tilespmem:s21+$0x10];
	v13 =	vshra.s32 v7, $0x10  }
0x4f: {  	v14 =	vshra.s32 v8, $0x10;
	v8 =	vand.u32 $0xFFFF, v8;
	v15 =	vld [tilespmem:s21+$0x20];
	vm4 =	veq.s32 v13, v2  }
0x50: {  	v7 =	vand.u32 $0xFFFF, v7;
	v13 =	vld [tilespmem:s21+$0xFFFFFFC0];
	vm5 =	veq.s32 v14, v2;
	v14 =	vshra.s32 v9, $0x10  }
0x51: {  	v9 =	vand.u32 $0xFFFF, v9;
	vm6 =	veq.s32 v14, v2;
	v14 =	vshra.s32 v10, $0x10;
	[tilespmem:v6+s3+$0x0] =	vst.idx.add.s32.msk vm3, v1  }
0x52: {  	v10 =	vand.u32 $0xFFFF, v10;
	vm7 =	veq.s32 v14, v2;
	v6 =	vshra.s32 v11, $0x10;
	[tilespmem:v3+s3+$0x0] =	vst.idx.add.s32.msk vm0, v1  }
0x53: {  	v3 =	vand.u32 $0xFFFF, v11;
	vm0 =	veq.s32 v6, v2;
	v6 =	vshra.s32 v12, $0x10;
	[tilespmem:v4+s3+$0x0] =	vst.idx.add.s32.msk vm1, v1  }
.Ltmp1:
0x54: {  	v4 =	vand.u32 $0xFFFF, v12;
	vm1 =	veq.s32 v6, v2;
	v11 =	vshra.s32 v15, $0x10;
	[tilespmem:v5+s3+$0x0] =	vst.idx.add.s32.msk vm2, v1;
	(pc) =	sbr.rel @p2 .LBB2_6-.Ltmp1, $4  }
0x55: {  	v5 =	vshra.s32 v13, $0x10;
	v6 =	vand.u32 $0xFFFF, v13;
	vm2 =	veq.s32 v11, v2;
	[tilespmem:v7+s3+$0x0] =	vst.idx.add.s32.msk vm4, v1  }
0x56: {  	vm3 =	veq.s32 v5, v2;
	[tilespmem:v8+s3+$0x0] =	vst.idx.add.s32.msk vm5, v1;
	v5 =	vand.u32 $0xFFFF, v15  }
0x57: {  	[tilespmem:v9+s3+$0x0] =	vst.idx.add.s32.msk vm6, v1  }
0x58: {  	s21 =	sadd.s32 $0x400, s21;
	[tilespmem:v10+s3+$0x0] =	vst.idx.add.s32.msk vm7, v1  }
0x59: {  	_ =	sdelay $0x1  }
0x5a: {  	s19 =	sadd.s32 $0x1, s19  }
0x5b: {  	p2 =	sne.s32 s19, $0x8  }
.Ltmp2:
0x5c: {  	_ = 	snop;
	(pc) =	sbr.rel @p2 .LBB2_5-.Ltmp2, $4  }
0x5d: {  	[tilespmem:v6+s3+$0x0] =	vst.idx.add.s32.msk vm3, v1  }
0x5e: {  	[tilespmem:v3+s3+$0x0] =	vst.idx.add.s32.msk vm0, v1  }
0x5f: {  	[tilespmem:v4+s3+$0x0] =	vst.idx.add.s32.msk vm1, v1  }
0x60: {  	[tilespmem:v5+s3+$0x0] =	vst.idx.add.s32.msk vm2, v1;
	s18 =	sadd.s32 $0x80, s18  }
0x61: {  	p2 =	seq.s32 s17, $0x2F  }
0x62: {  	s19 =	simm.s32 $0x1;
	s17 =	sadd.s32 $0x1, s17;
	p0 =	por p2, p0  }
0x63: {  	s19 =	simm.s32 @!p0 $0x0;
	p0 =	sne.s32 s17, $0x30  }
.Ltmp3:
0x64: {  	_ = 	snop;
	(pc) =	sbr.rel @p0 .LBB2_4-.Ltmp3, $4  }
0x65: {  	_ = 	snop  }
0x66: {  	s18 =	simm.s32 $0x1  }
0x67: {  	s18 =	simm.s32 @!p1 $0x0  }
0x68: {  	_ =	strace $0x90000052;
	s14 =	sadd.s32 s18, s14;
	s15 =	sadd.s32 s19, s15  }
0x69: {  	s12 =	sadd.s32 $0x1, s12  }
0x6a: {  	p0 =	sne.s32 s12, s8  }
.Ltmp4:
0x6b: {  	_ = 	snop;
	(pc) =	sbr.rel @p0 .LBB2_1-.Ltmp4, $4  }
0x6c: {  	[hbm4b:s7+s3] =	stream.linear.scatter [tilespmem:s3], [sflag:$0x1], $0x10000, $0x38;
	[tilespmem:$0x18080] =	vst v63  }
0x6d: {  	_ =	swait.ge [sflag:s11], $0x10000  }
0x6e: {  	[sflag:s11] =	ssyncset.done $0x0  }
0x6f: {  	[sflag:s11] =	ssyncadd.s32 $0xFFFF0000  }
0x70: {  	_ =	sfence.sel $0x180000  }
0x71: {  	[bflag:$0x0] =	sbarrier.arrive $0xFFFF  }
0x72: {  	p0 =	sne.s32 s2, $0x0;
	_ =	strace $0x9000004E  }
0x73: {  	s0 =	sadd.s32 @!p0 $0x100000, s0;
	[bflag:$0x2] =	sbarrier.arrive $0xFFFF  }
0x74: {  	[sflag:s0] =	ssyncadd.tile.s32 @!p0 $0x1;
	_ =	shalt  }
.Lfunc_end2:
_tile_overlayer_lowered:
.L_overlay_start_2:
0x75: {  	(tag) =	ssettag $0x2  }
0x76: {  	s0 =	rddreg [dreg:$0x0];
	s2 =	stileid.u32  }
0x77: {  	s1 =	rddreg [dreg:$0x1];
	p0 =	sne.s32 s2, $0x0  }
0x78: {  	s3 =	rddreg [dreg:$0x2];
	[bflag:$0x3] =	sbarrier.arrive $0xFFFF;
	s2 =	simm.s32 @!p0 $0x1C01  }
0x79: {  	[timem:s3], [sflag:s2] =	dma.local @!p0 [hbm:s0], s1  }
0x7a: {  	s0 =	simm.s32 @!p0 $0x1  }
0x7b: {  	_ =	swait.ge @!p0 [sflag:s0], s1  }
0x7c: {  	s1 =	ssub.s32 @!p0 $0x0, s1;
	[sflag:s0] =	ssyncset.done @!p0 $0x0  }
0x7d: {  	[sflag:s0] =	ssyncadd.s32 @!p0 s1  }
0x7e: {  	[bflag:$0x3] =	sbarrier.arrive $0xFFFF  }
0x7f: {  	_ =	shalt  }

</sc_bundles>
